<compile_context>
chip_gen: v7x
topology: tpu7x:2x2x1
jax: 0.10.2.dev20260603
libtpu: 0.0.44.dev20260713+nightly
codegen_flags: <defaults>
</compile_context>

<pallas_src>
import functools

import jax
import jax.numpy as jnp
from jax import lax
from jax.experimental import pallas as pl
from jax.experimental.pallas import tpu as pltpu
from jax.experimental.pallas import tpu_sc as plsc

EMB = 1024
BATCH = 1024
SEQ = 50
N = BATCH * SEQ
NW = 32
PER_W = N // NW
CHUNK = 8
NBUF = 10
NCHUNK = PER_W // CHUNK
NGROUP = NCHUNK // NBUF


def _sc_gather(table, idx):
    mesh = plsc.VectorSubcoreMesh(core_axis_name="c", subcore_axis_name="s")

    @functools.partial(
        pl.kernel,
        mesh=mesh,
        out_type=jax.ShapeDtypeStruct((N, EMB), jnp.float32),
        scratch_types=(
            [pltpu.VMEM((NCHUNK, CHUNK), jnp.int32)]
            + [pltpu.VMEM((CHUNK, EMB), jnp.float32) for _ in range(NBUF)]
            + [pltpu.SemaphoreType.DMA for _ in range(2 * NBUF)]
        ),
    )
    def gather_kernel(table_hbm, idx_hbm, out_hbm, idx_v, *rest):
        bufs = rest[:NBUF]
        gsems = rest[NBUF:2 * NBUF]
        ssems = rest[2 * NBUF:]

        wid = lax.axis_index("s") * 2 + lax.axis_index("c")
        base = wid * PER_W
        pltpu.sync_copy(idx_hbm.at[wid], idx_v)

        def start_gather(c, b):
            pltpu.async_copy(table_hbm.at[idx_v.at[c]], bufs[b], gsems[b])

        def wait_gather(c, b):
            pltpu.make_async_copy(
                table_hbm.at[idx_v.at[c]], bufs[b], gsems[b]).wait()

        def start_scatter(c, b):
            pltpu.async_copy(
                bufs[b], out_hbm.at[pl.ds(base + c * CHUNK, CHUNK)], ssems[b])

        def wait_scatter(c, b):
            pltpu.make_async_copy(
                bufs[b], out_hbm.at[pl.ds(base + c * CHUNK, CHUNK)],
                ssems[b]).wait()

        for k in range(NBUF):
            start_gather(k, k)

        def body(i, carry):
            c0 = NBUF * i
            for k in range(NBUF):
                wait_gather(c0 + k, k)
                start_scatter(c0 + k, k)
            for k in range(NBUF):
                wait_scatter(c0 + k, k)
                start_gather(c0 + NBUF + k, k)
            return carry

        lax.fori_loop(0, NGROUP - 1, body, 0)

        c0 = NCHUNK - NBUF
        for k in range(NBUF):
            wait_gather(c0 + k, k)
            start_scatter(c0 + k, k)
        for k in range(NBUF):
            wait_scatter(c0 + k, k)

    return gather_kernel(table, idx)


def kernel(log_seqs, table):
    idx = log_seqs.astype(jnp.int32).T.reshape(NW, NCHUNK, CHUNK)
    out = _sc_gather(table, idx)
    return out.reshape(SEQ, BATCH, EMB).transpose(1, 0, 2)

# --- scband reference (transcript-rebuilt; emitter-appended) ---
"""Pipeline reference for scband-semantic-extractor-22402549416657 (READ-ONLY COPY).

The authoritative reference and input builder live on the scoring server;
editing this copy changes nothing except your own understanding.
"""

import jax, jax.numpy as jnp
import numpy as np

VOCAB = 100000          # number of problems
EMB_DIM = 1024          # bge-m3 dense embedding dim
NUM_ROWS = VOCAB + 1    # extra zero-padding row appended in __init__


def setup_inputs(seed: int = 0) -> dict:
    key = jax.random.key(seed)
    k1, k2 = jax.random.split(key)
    # embedding table: VOCAB real rows + 1 zero padding row (as built in __init__)
    table_real = jax.random.normal(k1, (VOCAB, EMB_DIM), dtype=jnp.float32)
    table = jnp.concatenate([table_real, jnp.zeros((1, EMB_DIM), dtype=jnp.float32)], axis=0)
    log_seqs = jax.random.randint(k2, (1024, 50), 0, VOCAB, dtype=jnp.int64)
    return {"log_seqs": log_seqs, "table": table}


def reference(log_seqs, table):
    # get_problem_embedding: plain nn.Embedding lookup (no_grad in original)
    raw_semantic_embedding = jnp.take(table, log_seqs, axis=0)
    return raw_semantic_embedding

if __name__ == "__main__":
    import jax
    _d = setup_inputs()
    print(jax.jit(kernel)(*tuple(_d.values())))

</pallas_src>

<mosaic_0001>
#map = affine_map<(d0, d1) -> (0, 0)>
#map1 = affine_map<(d0, d1) -> (0, 0, 0)>
module attributes {stable_mosaic.version = 14 : i64} {
  func.func @gather_kernel(%arg0: i32, %arg1: i32, %arg2: memref<100001x1024xf32, #tpu.memory_space<hbm>>, %arg3: memref<32x200x8xi32, #tpu.memory_space<hbm>>, %arg4: memref<51200x1024xf32, #tpu.memory_space<hbm>>, %arg5: memref<200x8xi32, #tpu.memory_space<vmem>>, %arg6: memref<8x1024xf32, #tpu.memory_space<vmem>>, %arg7: memref<8x1024xf32, #tpu.memory_space<vmem>>, %arg8: memref<8x1024xf32, #tpu.memory_space<vmem>>, %arg9: memref<8x1024xf32, #tpu.memory_space<vmem>>, %arg10: memref<8x1024xf32, #tpu.memory_space<vmem>>, %arg11: memref<8x1024xf32, #tpu.memory_space<vmem>>, %arg12: memref<8x1024xf32, #tpu.memory_space<vmem>>, %arg13: memref<8x1024xf32, #tpu.memory_space<vmem>>, %arg14: memref<8x1024xf32, #tpu.memory_space<vmem>>, %arg15: memref<8x1024xf32, #tpu.memory_space<vmem>>, %arg16: memref<!tpu.dma_semaphore, #tpu.memory_space<semaphore_mem>>, %arg17: memref<!tpu.dma_semaphore, #tpu.memory_space<semaphore_mem>>, %arg18: memref<!tpu.dma_semaphore, #tpu.memory_space<semaphore_mem>>, %arg19: memref<!tpu.dma_semaphore, #tpu.memory_space<semaphore_mem>>, %arg20: memref<!tpu.dma_semaphore, #tpu.memory_space<semaphore_mem>>, %arg21: memref<!tpu.dma_semaphore, #tpu.memory_space<semaphore_mem>>, %arg22: memref<!tpu.dma_semaphore, #tpu.memory_space<semaphore_mem>>, %arg23: memref<!tpu.dma_semaphore, #tpu.memory_space<semaphore_mem>>, %arg24: memref<!tpu.dma_semaphore, #tpu.memory_space<semaphore_mem>>, %arg25: memref<!tpu.dma_semaphore, #tpu.memory_space<semaphore_mem>>, %arg26: memref<!tpu.dma_semaphore, #tpu.memory_space<semaphore_mem>>, %arg27: memref<!tpu.dma_semaphore, #tpu.memory_space<semaphore_mem>>, %arg28: memref<!tpu.dma_semaphore, #tpu.memory_space<semaphore_mem>>, %arg29: memref<!tpu.dma_semaphore, #tpu.memory_space<semaphore_mem>>, %arg30: memref<!tpu.dma_semaphore, #tpu.memory_space<semaphore_mem>>, %arg31: memref<!tpu.dma_semaphore, #tpu.memory_space<semaphore_mem>>, %arg32: memref<!tpu.dma_semaphore, #tpu.memory_space<semaphore_mem>>, %arg33: memref<!tpu.dma_semaphore, #tpu.memory_space<semaphore_mem>>, %arg34: memref<!tpu.dma_semaphore, #tpu.memory_space<semaphore_mem>>, %arg35: memref<!tpu.dma_semaphore, #tpu.memory_space<semaphore_mem>>) attributes {dimension_semantics = [#tpu.dimension_semantics<core_parallel>, #tpu.dimension_semantics<subcore_parallel>], iteration_bounds = array<i64: 2, 16>, scalar_prefetch = 0 : i64, scratch_operands = 31 : i64, tpu.core_type = #tpu.core_type<sc_vector_subcore>, window_params = [{transform_indices = #map}, {transform_indices = #map1}, {transform_indices = #map}]} {
    %mul3A = arith.constant 2 : i32
    %mul3A_0 = arith.muli %arg1, %mul3A : i32
    %add3A = arith.addi %mul3A_0, %arg0 : i32
    %mul3A_1 = arith.constant 1600 : i32
    %mul3A_2 = arith.muli %add3A, %mul3A_1 : i32
    "tpu.region"() ({
      %run_scoped3A = tpu.sem_alloc : memref<!tpu.dma_semaphore, #tpu.memory_space<semaphore_mem>>
      %dma_start3A_266 = arith.constant 0 : i32
      %dma_start3A_267 = arith.constant 0 : i32
      %dma_start3A_268 = tpu.memref_slice %arg3[%add3A, %dma_start3A_266, %dma_start3A_267] : memref<32x200x8xi32, #tpu.memory_space<hbm>> -> memref<1x200x8xi32, #tpu.memory_space<hbm>>
      %dma_start3A_269 = tpu.memref_squeeze %dma_start3A_268 : memref<1x200x8xi32, #tpu.memory_space<hbm>> -> memref<200x8xi32, #tpu.memory_space<hbm>>
      %dma_start3A_270 = arith.constant 0 : i32
      %dma_start3A_271 = arith.constant 0 : i32
      %dma_start3A_272 = tpu.memref_slice %arg3[%add3A, %dma_start3A_270, %dma_start3A_271] : memref<32x200x8xi32, #tpu.memory_space<hbm>> -> memref<1x200x8xi32, #tpu.memory_space<hbm>>
      %dma_start3A_273 = tpu.memref_squeeze %dma_start3A_272 : memref<1x200x8xi32, #tpu.memory_space<hbm>> -> memref<200x8xi32, #tpu.memory_space<hbm>>
      tpu.enqueue_dma source(%dma_start3A_273 : memref<200x8xi32, #tpu.memory_space<hbm>>) target(%arg5 : memref<200x8xi32, #tpu.memory_space<vmem>>) target_semaphore(%run_scoped3A : memref<!tpu.dma_semaphore, #tpu.memory_space<semaphore_mem>>)
      %dma_wait3A_274 = arith.constant 0 : i32
      %dma_wait3A_275 = arith.constant 0 : i32
      %dma_wait3A_276 = tpu.memref_slice %arg3[%add3A, %dma_wait3A_274, %dma_wait3A_275] : memref<32x200x8xi32, #tpu.memory_space<hbm>> -> memref<1x200x8xi32, #tpu.memory_space<hbm>>
      %dma_wait3A_277 = tpu.memref_squeeze %dma_wait3A_276 : memref<1x200x8xi32, #tpu.memory_space<hbm>> -> memref<200x8xi32, #tpu.memory_space<hbm>>
      %dma_wait3A_278 = arith.constant 0 : i32
      %dma_wait3A_279 = arith.constant 0 : i32
      %dma_wait3A_280 = tpu.memref_slice %arg3[%add3A, %dma_wait3A_278, %dma_wait3A_279] : memref<32x200x8xi32, #tpu.memory_space<hbm>> -> memref<1x200x8xi32, #tpu.memory_space<hbm>>
      %dma_wait3A_281 = tpu.memref_squeeze %dma_wait3A_280 : memref<1x200x8xi32, #tpu.memory_space<hbm>> -> memref<200x8xi32, #tpu.memory_space<hbm>>
      tpu.wait_dma2 semaphore(%run_scoped3A : memref<!tpu.dma_semaphore, #tpu.memory_space<semaphore_mem>>) src(%dma_wait3A_281 : memref<200x8xi32, #tpu.memory_space<hbm>>) dst(%arg5 : memref<200x8xi32, #tpu.memory_space<vmem>>)
      tpu.yield
    }) : () -> ()
    %dma_start3A = arith.constant 0 : i32
    %dma_start3A_3 = arith.constant 0 : i32
    %dma_start3A_4 = tpu.memref_slice %arg5[%dma_start3A, %dma_start3A_3] : memref<200x8xi32, #tpu.memory_space<vmem>> -> memref<1x8xi32, #tpu.memory_space<vmem>>
    %dma_start3A_5 = tpu.memref_squeeze %dma_start3A_4 : memref<1x8xi32, #tpu.memory_space<vmem>> -> memref<8xi32, #tpu.memory_space<vmem>>
    %dma_start3A_6 = arith.constant 0 : i32
    %dma_start3A_7 = arith.constant 0 : i32
    %dma_start3A_8 = tpu.memref_slice %arg2[%dma_start3A_6, %dma_start3A_7] : memref<100001x1024xf32, #tpu.memory_space<hbm>> -> memref<100001x1024xf32, #tpu.memory_space<hbm>>
    tpu.enqueue_indirect_dma source(%dma_start3A_8 : memref<100001x1024xf32, #tpu.memory_space<hbm>>) target(%arg6 : memref<8x1024xf32, #tpu.memory_space<vmem>>) offsets(%dma_start3A_5 : memref<8xi32, #tpu.memory_space<vmem>>) semaphore(%arg16 : memref<!tpu.dma_semaphore, #tpu.memory_space<semaphore_mem>>)
    %dma_start3A_9 = arith.constant 1 : i32
    %dma_start3A_10 = arith.constant 0 : i32
    %dma_start3A_11 = tpu.memref_slice %arg5[%dma_start3A_9, %dma_start3A_10] : memref<200x8xi32, #tpu.memory_space<vmem>> -> memref<1x8xi32, #tpu.memory_space<vmem>>
    %dma_start3A_12 = tpu.memref_squeeze %dma_start3A_11 : memref<1x8xi32, #tpu.memory_space<vmem>> -> memref<8xi32, #tpu.memory_space<vmem>>
    %dma_start3A_13 = arith.constant 0 : i32
    %dma_start3A_14 = arith.constant 0 : i32
    %dma_start3A_15 = tpu.memref_slice %arg2[%dma_start3A_13, %dma_start3A_14] : memref<100001x1024xf32, #tpu.memory_space<hbm>> -> memref<100001x1024xf32, #tpu.memory_space<hbm>>
    tpu.enqueue_indirect_dma source(%dma_start3A_15 : memref<100001x1024xf32, #tpu.memory_space<hbm>>) target(%arg7 : memref<8x1024xf32, #tpu.memory_space<vmem>>) offsets(%dma_start3A_12 : memref<8xi32, #tpu.memory_space<vmem>>) semaphore(%arg17 : memref<!tpu.dma_semaphore, #tpu.memory_space<semaphore_mem>>)
    %dma_start3A_16 = arith.constant 2 : i32
    %dma_start3A_17 = arith.constant 0 : i32
    %dma_start3A_18 = tpu.memref_slice %arg5[%dma_start3A_16, %dma_start3A_17] : memref<200x8xi32, #tpu.memory_space<vmem>> -> memref<1x8xi32, #tpu.memory_space<vmem>>
    %dma_start3A_19 = tpu.memref_squeeze %dma_start3A_18 : memref<1x8xi32, #tpu.memory_space<vmem>> -> memref<8xi32, #tpu.memory_space<vmem>>
    %dma_start3A_20 = arith.constant 0 : i32
    %dma_start3A_21 = arith.constant 0 : i32
    %dma_start3A_22 = tpu.memref_slice %arg2[%dma_start3A_20, %dma_start3A_21] : memref<100001x1024xf32, #tpu.memory_space<hbm>> -> memref<100001x1024xf32, #tpu.memory_space<hbm>>
    tpu.enqueue_indirect_dma source(%dma_start3A_22 : memref<100001x1024xf32, #tpu.memory_space<hbm>>) target(%arg8 : memref<8x1024xf32, #tpu.memory_space<vmem>>) offsets(%dma_start3A_19 : memref<8xi32, #tpu.memory_space<vmem>>) semaphore(%arg18 : memref<!tpu.dma_semaphore, #tpu.memory_space<semaphore_mem>>)
    %dma_start3A_23 = arith.constant 3 : i32
    %dma_start3A_24 = arith.constant 0 : i32
    %dma_start3A_25 = tpu.memref_slice %arg5[%dma_start3A_23, %dma_start3A_24] : memref<200x8xi32, #tpu.memory_space<vmem>> -> memref<1x8xi32, #tpu.memory_space<vmem>>
    %dma_start3A_26 = tpu.memref_squeeze %dma_start3A_25 : memref<1x8xi32, #tpu.memory_space<vmem>> -> memref<8xi32, #tpu.memory_space<vmem>>
    %dma_start3A_27 = arith.constant 0 : i32
    %dma_start3A_28 = arith.constant 0 : i32
    %dma_start3A_29 = tpu.memref_slice %arg2[%dma_start3A_27, %dma_start3A_28] : memref<100001x1024xf32, #tpu.memory_space<hbm>> -> memref<100001x1024xf32, #tpu.memory_space<hbm>>
    tpu.enqueue_indirect_dma source(%dma_start3A_29 : memref<100001x1024xf32, #tpu.memory_space<hbm>>) target(%arg9 : memref<8x1024xf32, #tpu.memory_space<vmem>>) offsets(%dma_start3A_26 : memref<8xi32, #tpu.memory_space<vmem>>) semaphore(%arg19 : memref<!tpu.dma_semaphore, #tpu.memory_space<semaphore_mem>>)
    %dma_start3A_30 = arith.constant 4 : i32
    %dma_start3A_31 = arith.constant 0 : i32
    %dma_start3A_32 = tpu.memref_slice %arg5[%dma_start3A_30, %dma_start3A_31] : memref<200x8xi32, #tpu.memory_space<vmem>> -> memref<1x8xi32, #tpu.memory_space<vmem>>
    %dma_start3A_33 = tpu.memref_squeeze %dma_start3A_32 : memref<1x8xi32, #tpu.memory_space<vmem>> -> memref<8xi32, #tpu.memory_space<vmem>>
    %dma_start3A_34 = arith.constant 0 : i32
    %dma_start3A_35 = arith.constant 0 : i32
    %dma_start3A_36 = tpu.memref_slice %arg2[%dma_start3A_34, %dma_start3A_35] : memref<100001x1024xf32, #tpu.memory_space<hbm>> -> memref<100001x1024xf32, #tpu.memory_space<hbm>>
    tpu.enqueue_indirect_dma source(%dma_start3A_36 : memref<100001x1024xf32, #tpu.memory_space<hbm>>) target(%arg10 : memref<8x1024xf32, #tpu.memory_space<vmem>>) offsets(%dma_start3A_33 : memref<8xi32, #tpu.memory_space<vmem>>) semaphore(%arg20 : memref<!tpu.dma_semaphore, #tpu.memory_space<semaphore_mem>>)
    %dma_start3A_37 = arith.constant 5 : i32
    %dma_start3A_38 = arith.constant 0 : i32
    %dma_start3A_39 = tpu.memref_slice %arg5[%dma_start3A_37, %dma_start3A_38] : memref<200x8xi32, #tpu.memory_space<vmem>> -> memref<1x8xi32, #tpu.memory_space<vmem>>
    %dma_start3A_40 = tpu.memref_squeeze %dma_start3A_39 : memref<1x8xi32, #tpu.memory_space<vmem>> -> memref<8xi32, #tpu.memory_space<vmem>>
    %dma_start3A_41 = arith.constant 0 : i32
    %dma_start3A_42 = arith.constant 0 : i32
    %dma_start3A_43 = tpu.memref_slice %arg2[%dma_start3A_41, %dma_start3A_42] : memref<100001x1024xf32, #tpu.memory_space<hbm>> -> memref<100001x1024xf32, #tpu.memory_space<hbm>>
    tpu.enqueue_indirect_dma source(%dma_start3A_43 : memref<100001x1024xf32, #tpu.memory_space<hbm>>) target(%arg11 : memref<8x1024xf32, #tpu.memory_space<vmem>>) offsets(%dma_start3A_40 : memref<8xi32, #tpu.memory_space<vmem>>) semaphore(%arg21 : memref<!tpu.dma_semaphore, #tpu.memory_space<semaphore_mem>>)
    %dma_start3A_44 = arith.constant 6 : i32
    %dma_start3A_45 = arith.constant 0 : i32
    %dma_start3A_46 = tpu.memref_slice %arg5[%dma_start3A_44, %dma_start3A_45] : memref<200x8xi32, #tpu.memory_space<vmem>> -> memref<1x8xi32, #tpu.memory_space<vmem>>
    %dma_start3A_47 = tpu.memref_squeeze %dma_start3A_46 : memref<1x8xi32, #tpu.memory_space<vmem>> -> memref<8xi32, #tpu.memory_space<vmem>>
    %dma_start3A_48 = arith.constant 0 : i32
    %dma_start3A_49 = arith.constant 0 : i32
    %dma_start3A_50 = tpu.memref_slice %arg2[%dma_start3A_48, %dma_start3A_49] : memref<100001x1024xf32, #tpu.memory_space<hbm>> -> memref<100001x1024xf32, #tpu.memory_space<hbm>>
    tpu.enqueue_indirect_dma source(%dma_start3A_50 : memref<100001x1024xf32, #tpu.memory_space<hbm>>) target(%arg12 : memref<8x1024xf32, #tpu.memory_space<vmem>>) offsets(%dma_start3A_47 : memref<8xi32, #tpu.memory_space<vmem>>) semaphore(%arg22 : memref<!tpu.dma_semaphore, #tpu.memory_space<semaphore_mem>>)
    %dma_start3A_51 = arith.constant 7 : i32
    %dma_start3A_52 = arith.constant 0 : i32
    %dma_start3A_53 = tpu.memref_slice %arg5[%dma_start3A_51, %dma_start3A_52] : memref<200x8xi32, #tpu.memory_space<vmem>> -> memref<1x8xi32, #tpu.memory_space<vmem>>
    %dma_start3A_54 = tpu.memref_squeeze %dma_start3A_53 : memref<1x8xi32, #tpu.memory_space<vmem>> -> memref<8xi32, #tpu.memory_space<vmem>>
    %dma_start3A_55 = arith.constant 0 : i32
    %dma_start3A_56 = arith.constant 0 : i32
    %dma_start3A_57 = tpu.memref_slice %arg2[%dma_start3A_55, %dma_start3A_56] : memref<100001x1024xf32, #tpu.memory_space<hbm>> -> memref<100001x1024xf32, #tpu.memory_space<hbm>>
    tpu.enqueue_indirect_dma source(%dma_start3A_57 : memref<100001x1024xf32, #tpu.memory_space<hbm>>) target(%arg13 : memref<8x1024xf32, #tpu.memory_space<vmem>>) offsets(%dma_start3A_54 : memref<8xi32, #tpu.memory_space<vmem>>) semaphore(%arg23 : memref<!tpu.dma_semaphore, #tpu.memory_space<semaphore_mem>>)
    %dma_start3A_58 = arith.constant 8 : i32
    %dma_start3A_59 = arith.constant 0 : i32
    %dma_start3A_60 = tpu.memref_slice %arg5[%dma_start3A_58, %dma_start3A_59] : memref<200x8xi32, #tpu.memory_space<vmem>> -> memref<1x8xi32, #tpu.memory_space<vmem>>
    %dma_start3A_61 = tpu.memref_squeeze %dma_start3A_60 : memref<1x8xi32, #tpu.memory_space<vmem>> -> memref<8xi32, #tpu.memory_space<vmem>>
    %dma_start3A_62 = arith.constant 0 : i32
    %dma_start3A_63 = arith.constant 0 : i32
    %dma_start3A_64 = tpu.memref_slice %arg2[%dma_start3A_62, %dma_start3A_63] : memref<100001x1024xf32, #tpu.memory_space<hbm>> -> memref<100001x1024xf32, #tpu.memory_space<hbm>>
    tpu.enqueue_indirect_dma source(%dma_start3A_64 : memref<100001x1024xf32, #tpu.memory_space<hbm>>) target(%arg14 : memref<8x1024xf32, #tpu.memory_space<vmem>>) offsets(%dma_start3A_61 : memref<8xi32, #tpu.memory_space<vmem>>) semaphore(%arg24 : memref<!tpu.dma_semaphore, #tpu.memory_space<semaphore_mem>>)
    %dma_start3A_65 = arith.constant 9 : i32
    %dma_start3A_66 = arith.constant 0 : i32
    %dma_start3A_67 = tpu.memref_slice %arg5[%dma_start3A_65, %dma_start3A_66] : memref<200x8xi32, #tpu.memory_space<vmem>> -> memref<1x8xi32, #tpu.memory_space<vmem>>
    %dma_start3A_68 = tpu.memref_squeeze %dma_start3A_67 : memref<1x8xi32, #tpu.memory_space<vmem>> -> memref<8xi32, #tpu.memory_space<vmem>>
    %dma_start3A_69 = arith.constant 0 : i32
    %dma_start3A_70 = arith.constant 0 : i32
    %dma_start3A_71 = tpu.memref_slice %arg2[%dma_start3A_69, %dma_start3A_70] : memref<100001x1024xf32, #tpu.memory_space<hbm>> -> memref<100001x1024xf32, #tpu.memory_space<hbm>>
    tpu.enqueue_indirect_dma source(%dma_start3A_71 : memref<100001x1024xf32, #tpu.memory_space<hbm>>) target(%arg15 : memref<8x1024xf32, #tpu.memory_space<vmem>>) offsets(%dma_start3A_68 : memref<8xi32, #tpu.memory_space<vmem>>) semaphore(%arg25 : memref<!tpu.dma_semaphore, #tpu.memory_space<semaphore_mem>>)
    %scan3A = arith.constant 0 : i32
    %scan3A_72 = arith.constant 0 : i32
    %scan3A_73 = arith.constant 19 : i32
    %scan3A_74 = arith.addi %scan3A_72, %scan3A_73 : i32
    %scan3A_75 = arith.constant 1 : i32
    scf.for %scan3A_266 = %scan3A_72 to %scan3A_74 step %scan3A_75  : i32 {
      %mul3A_267 = arith.constant 10 : i32
      %mul3A_268 = arith.muli %mul3A_267, %scan3A_266 : i32
      %add3A_269 = arith.constant 0 : i32
      %add3A_270 = arith.addi %mul3A_268, %add3A_269 : i32
      %dma_wait3A_271 = arith.constant 0 : i32
      %dma_wait3A_272 = tpu.memref_slice %arg5[%add3A_270, %dma_wait3A_271] : memref<200x8xi32, #tpu.memory_space<vmem>> -> memref<1x8xi32, #tpu.memory_space<vmem>>
      %dma_wait3A_273 = tpu.memref_squeeze %dma_wait3A_272 : memref<1x8xi32, #tpu.memory_space<vmem>> -> memref<8xi32, #tpu.memory_space<vmem>>
      %dma_wait3A_274 = arith.constant 0 : i32
      %dma_wait3A_275 = arith.constant 0 : i32
      %dma_wait3A_276 = tpu.memref_slice %arg2[%dma_wait3A_274, %dma_wait3A_275] : memref<100001x1024xf32, #tpu.memory_space<hbm>> -> memref<100001x1024xf32, #tpu.memory_space<hbm>>
      tpu.wait_indirect_dma semaphore(%arg16 : memref<!tpu.dma_semaphore, #tpu.memory_space<semaphore_mem>>) src(%dma_wait3A_276 : memref<100001x1024xf32, #tpu.memory_space<hbm>>) dst(%arg6 : memref<8x1024xf32, #tpu.memory_space<vmem>>)
      %add3A_277 = arith.constant 0 : i32
      %add3A_278 = arith.addi %mul3A_268, %add3A_277 : i32
      %mul3A_279 = arith.constant 8 : i32
      %mul3A_280 = arith.muli %add3A_278, %mul3A_279 : i32
      %add3A_281 = arith.addi %mul3A_2, %mul3A_280 : i32
      %dma_start3A_282 = arith.constant 0 : i32
      %dma_start3A_283 = tpu.memref_slice %arg4[%add3A_281, %dma_start3A_282] : memref<51200x1024xf32, #tpu.memory_space<hbm>> -> memref<8x1024xf32, #tpu.memory_space<hbm>>
      %dma_start3A_284 = arith.constant 0 : i32
      %dma_start3A_285 = tpu.memref_slice %arg4[%add3A_281, %dma_start3A_284] : memref<51200x1024xf32, #tpu.memory_space<hbm>> -> memref<8x1024xf32, #tpu.memory_space<hbm>>
      tpu.enqueue_dma source(%arg6 : memref<8x1024xf32, #tpu.memory_space<vmem>>) target(%dma_start3A_285 : memref<8x1024xf32, #tpu.memory_space<hbm>>) target_semaphore(%arg26 : memref<!tpu.dma_semaphore, #tpu.memory_space<semaphore_mem>>)
      %add3A_286 = arith.constant 1 : i32
      %add3A_287 = arith.addi %mul3A_268, %add3A_286 : i32
      %dma_wait3A_288 = arith.constant 0 : i32
      %dma_wait3A_289 = tpu.memref_slice %arg5[%add3A_287, %dma_wait3A_288] : memref<200x8xi32, #tpu.memory_space<vmem>> -> memref<1x8xi32, #tpu.memory_space<vmem>>
      %dma_wait3A_290 = tpu.memref_squeeze %dma_wait3A_289 : memref<1x8xi32, #tpu.memory_space<vmem>> -> memref<8xi32, #tpu.memory_space<vmem>>
      %dma_wait3A_291 = arith.constant 0 : i32
      %dma_wait3A_292 = arith.constant 0 : i32
      %dma_wait3A_293 = tpu.memref_slice %arg2[%dma_wait3A_291, %dma_wait3A_292] : memref<100001x1024xf32, #tpu.memory_space<hbm>> -> memref<100001x1024xf32, #tpu.memory_space<hbm>>
      tpu.wait_indirect_dma semaphore(%arg17 : memref<!tpu.dma_semaphore, #tpu.memory_space<semaphore_mem>>) src(%dma_wait3A_293 : memref<100001x1024xf32, #tpu.memory_space<hbm>>) dst(%arg7 : memref<8x1024xf32, #tpu.memory_space<vmem>>)
      %add3A_294 = arith.constant 1 : i32
      %add3A_295 = arith.addi %mul3A_268, %add3A_294 : i32
      %mul3A_296 = arith.constant 8 : i32
      %mul3A_297 = arith.muli %add3A_295, %mul3A_296 : i32
      %add3A_298 = arith.addi %mul3A_2, %mul3A_297 : i32
      %dma_start3A_299 = arith.constant 0 : i32
      %dma_start3A_300 = tpu.memref_slice %arg4[%add3A_298, %dma_start3A_299] : memref<51200x1024xf32, #tpu.memory_space<hbm>> -> memref<8x1024xf32, #tpu.memory_space<hbm>>
      %dma_start3A_301 = arith.constant 0 : i32
      %dma_start3A_302 = tpu.memref_slice %arg4[%add3A_298, %dma_start3A_301] : memref<51200x1024xf32, #tpu.memory_space<hbm>> -> memref<8x1024xf32, #tpu.memory_space<hbm>>
      tpu.enqueue_dma source(%arg7 : memref<8x1024xf32, #tpu.memory_space<vmem>>) target(%dma_start3A_302 : memref<8x1024xf32, #tpu.memory_space<hbm>>) target_semaphore(%arg27 : memref<!tpu.dma_semaphore, #tpu.memory_space<semaphore_mem>>)
      %add3A_303 = arith.constant 2 : i32
      %add3A_304 = arith.addi %mul3A_268, %add3A_303 : i32
      %dma_wait3A_305 = arith.constant 0 : i32
      %dma_wait3A_306 = tpu.memref_slice %arg5[%add3A_304, %dma_wait3A_305] : memref<200x8xi32, #tpu.memory_space<vmem>> -> memref<1x8xi32, #tpu.memory_space<vmem>>
      %dma_wait3A_307 = tpu.memref_squeeze %dma_wait3A_306 : memref<1x8xi32, #tpu.memory_space<vmem>> -> memref<8xi32, #tpu.memory_space<vmem>>
      %dma_wait3A_308 = arith.constant 0 : i32
      %dma_wait3A_309 = arith.constant 0 : i32
      %dma_wait3A_310 = tpu.memref_slice %arg2[%dma_wait3A_308, %dma_wait3A_309] : memref<100001x1024xf32, #tpu.memory_space<hbm>> -> memref<100001x1024xf32, #tpu.memory_space<hbm>>
      tpu.wait_indirect_dma semaphore(%arg18 : memref<!tpu.dma_semaphore, #tpu.memory_space<semaphore_mem>>) src(%dma_wait3A_310 : memref<100001x1024xf32, #tpu.memory_space<hbm>>) dst(%arg8 : memref<8x1024xf32, #tpu.memory_space<vmem>>)
      %add3A_311 = arith.constant 2 : i32
      %add3A_312 = arith.addi %mul3A_268, %add3A_311 : i32
      %mul3A_313 = arith.constant 8 : i32
      %mul3A_314 = arith.muli %add3A_312, %mul3A_313 : i32
      %add3A_315 = arith.addi %mul3A_2, %mul3A_314 : i32
      %dma_start3A_316 = arith.constant 0 : i32
      %dma_start3A_317 = tpu.memref_slice %arg4[%add3A_315, %dma_start3A_316] : memref<51200x1024xf32, #tpu.memory_space<hbm>> -> memref<8x1024xf32, #tpu.memory_space<hbm>>
      %dma_start3A_318 = arith.constant 0 : i32
      %dma_start3A_319 = tpu.memref_slice %arg4[%add3A_315, %dma_start3A_318] : memref<51200x1024xf32, #tpu.memory_space<hbm>> -> memref<8x1024xf32, #tpu.memory_space<hbm>>
      tpu.enqueue_dma source(%arg8 : memref<8x1024xf32, #tpu.memory_space<vmem>>) target(%dma_start3A_319 : memref<8x1024xf32, #tpu.memory_space<hbm>>) target_semaphore(%arg28 : memref<!tpu.dma_semaphore, #tpu.memory_space<semaphore_mem>>)
      %add3A_320 = arith.constant 3 : i32
      %add3A_321 = arith.addi %mul3A_268, %add3A_320 : i32
      %dma_wait3A_322 = arith.constant 0 : i32
      %dma_wait3A_323 = tpu.memref_slice %arg5[%add3A_321, %dma_wait3A_322] : memref<200x8xi32, #tpu.memory_space<vmem>> -> memref<1x8xi32, #tpu.memory_space<vmem>>
      %dma_wait3A_324 = tpu.memref_squeeze %dma_wait3A_323 : memref<1x8xi32, #tpu.memory_space<vmem>> -> memref<8xi32, #tpu.memory_space<vmem>>
      %dma_wait3A_325 = arith.constant 0 : i32
      %dma_wait3A_326 = arith.constant 0 : i32
      %dma_wait3A_327 = tpu.memref_slice %arg2[%dma_wait3A_325, %dma_wait3A_326] : memref<100001x1024xf32, #tpu.memory_space<hbm>> -> memref<100001x1024xf32, #tpu.memory_space<hbm>>
      tpu.wait_indirect_dma semaphore(%arg19 : memref<!tpu.dma_semaphore, #tpu.memory_space<semaphore_mem>>) src(%dma_wait3A_327 : memref<100001x1024xf32, #tpu.memory_space<hbm>>) dst(%arg9 : memref<8x1024xf32, #tpu.memory_space<vmem>>)
      %add3A_328 = arith.constant 3 : i32
      %add3A_329 = arith.addi %mul3A_268, %add3A_328 : i32
      %mul3A_330 = arith.constant 8 : i32
      %mul3A_331 = arith.muli %add3A_329, %mul3A_330 : i32
      %add3A_332 = arith.addi %mul3A_2, %mul3A_331 : i32
      %dma_start3A_333 = arith.constant 0 : i32
      %dma_start3A_334 = tpu.memref_slice %arg4[%add3A_332, %dma_start3A_333] : memref<51200x1024xf32, #tpu.memory_space<hbm>> -> memref<8x1024xf32, #tpu.memory_space<hbm>>
      %dma_start3A_335 = arith.constant 0 : i32
      %dma_start3A_336 = tpu.memref_slice %arg4[%add3A_332, %dma_start3A_335] : memref<51200x1024xf32, #tpu.memory_space<hbm>> -> memref<8x1024xf32, #tpu.memory_space<hbm>>
      tpu.enqueue_dma source(%arg9 : memref<8x1024xf32, #tpu.memory_space<vmem>>) target(%dma_start3A_336 : memref<8x1024xf32, #tpu.memory_space<hbm>>) target_semaphore(%arg29 : memref<!tpu.dma_semaphore, #tpu.memory_space<semaphore_mem>>)
      %add3A_337 = arith.constant 4 : i32
      %add3A_338 = arith.addi %mul3A_268, %add3A_337 : i32
      %dma_wait3A_339 = arith.constant 0 : i32
      %dma_wait3A_340 = tpu.memref_slice %arg5[%add3A_338, %dma_wait3A_339] : memref<200x8xi32, #tpu.memory_space<vmem>> -> memref<1x8xi32, #tpu.memory_space<vmem>>
      %dma_wait3A_341 = tpu.memref_squeeze %dma_wait3A_340 : memref<1x8xi32, #tpu.memory_space<vmem>> -> memref<8xi32, #tpu.memory_space<vmem>>
      %dma_wait3A_342 = arith.constant 0 : i32
      %dma_wait3A_343 = arith.constant 0 : i32
      %dma_wait3A_344 = tpu.memref_slice %arg2[%dma_wait3A_342, %dma_wait3A_343] : memref<100001x1024xf32, #tpu.memory_space<hbm>> -> memref<100001x1024xf32, #tpu.memory_space<hbm>>
      tpu.wait_indirect_dma semaphore(%arg20 : memref<!tpu.dma_semaphore, #tpu.memory_space<semaphore_mem>>) src(%dma_wait3A_344 : memref<100001x1024xf32, #tpu.memory_space<hbm>>) dst(%arg10 : memref<8x1024xf32, #tpu.memory_space<vmem>>)
      %add3A_345 = arith.constant 4 : i32
      %add3A_346 = arith.addi %mul3A_268, %add3A_345 : i32
      %mul3A_347 = arith.constant 8 : i32
      %mul3A_348 = arith.muli %add3A_346, %mul3A_347 : i32
      %add3A_349 = arith.addi %mul3A_2, %mul3A_348 : i32
      %dma_start3A_350 = arith.constant 0 : i32
      %dma_start3A_351 = tpu.memref_slice %arg4[%add3A_349, %dma_start3A_350] : memref<51200x1024xf32, #tpu.memory_space<hbm>> -> memref<8x1024xf32, #tpu.memory_space<hbm>>
      %dma_start3A_352 = arith.constant 0 : i32
      %dma_start3A_353 = tpu.memref_slice %arg4[%add3A_349, %dma_start3A_352] : memref<51200x1024xf32, #tpu.memory_space<hbm>> -> memref<8x1024xf32, #tpu.memory_space<hbm>>
      tpu.enqueue_dma source(%arg10 : memref<8x1024xf32, #tpu.memory_space<vmem>>) target(%dma_start3A_353 : memref<8x1024xf32, #tpu.memory_space<hbm>>) target_semaphore(%arg30 : memref<!tpu.dma_semaphore, #tpu.memory_space<semaphore_mem>>)
      %add3A_354 = arith.constant 5 : i32
      %add3A_355 = arith.addi %mul3A_268, %add3A_354 : i32
      %dma_wait3A_356 = arith.constant 0 : i32
      %dma_wait3A_357 = tpu.memref_slice %arg5[%add3A_355, %dma_wait3A_356] : memref<200x8xi32, #tpu.memory_space<vmem>> -> memref<1x8xi32, #tpu.memory_space<vmem>>
      %dma_wait3A_358 = tpu.memref_squeeze %dma_wait3A_357 : memref<1x8xi32, #tpu.memory_space<vmem>> -> memref<8xi32, #tpu.memory_space<vmem>>
      %dma_wait3A_359 = arith.constant 0 : i32
      %dma_wait3A_360 = arith.constant 0 : i32
      %dma_wait3A_361 = tpu.memref_slice %arg2[%dma_wait3A_359, %dma_wait3A_360] : memref<100001x1024xf32, #tpu.memory_space<hbm>> -> memref<100001x1024xf32, #tpu.memory_space<hbm>>
      tpu.wait_indirect_dma semaphore(%arg21 : memref<!tpu.dma_semaphore, #tpu.memory_space<semaphore_mem>>) src(%dma_wait3A_361 : memref<100001x1024xf32, #tpu.memory_space<hbm>>) dst(%arg11 : memref<8x1024xf32, #tpu.memory_space<vmem>>)
      %add3A_362 = arith.constant 5 : i32
      %add3A_363 = arith.addi %mul3A_268, %add3A_362 : i32
      %mul3A_364 = arith.constant 8 : i32
      %mul3A_365 = arith.muli %add3A_363, %mul3A_364 : i32
      %add3A_366 = arith.addi %mul3A_2, %mul3A_365 : i32
      %dma_start3A_367 = arith.constant 0 : i32
      %dma_start3A_368 = tpu.memref_slice %arg4[%add3A_366, %dma_start3A_367] : memref<51200x1024xf32, #tpu.memory_space<hbm>> -> memref<8x1024xf32, #tpu.memory_space<hbm>>
      %dma_start3A_369 = arith.constant 0 : i32
      %dma_start3A_370 = tpu.memref_slice %arg4[%add3A_366, %dma_start3A_369] : memref<51200x1024xf32, #tpu.memory_space<hbm>> -> memref<8x1024xf32, #tpu.memory_space<hbm>>
      tpu.enqueue_dma source(%arg11 : memref<8x1024xf32, #tpu.memory_space<vmem>>) target(%dma_start3A_370 : memref<8x1024xf32, #tpu.memory_space<hbm>>) target_semaphore(%arg31 : memref<!tpu.dma_semaphore, #tpu.memory_space<semaphore_mem>>)
      %add3A_371 = arith.constant 6 : i32
      %add3A_372 = arith.addi %mul3A_268, %add3A_371 : i32
      %dma_wait3A_373 = arith.constant 0 : i32
      %dma_wait3A_374 = tpu.memref_slice %arg5[%add3A_372, %dma_wait3A_373] : memref<200x8xi32, #tpu.memory_space<vmem>> -> memref<1x8xi32, #tpu.memory_space<vmem>>
      %dma_wait3A_375 = tpu.memref_squeeze %dma_wait3A_374 : memref<1x8xi32, #tpu.memory_space<vmem>> -> memref<8xi32, #tpu.memory_space<vmem>>
      %dma_wait3A_376 = arith.constant 0 : i32
      %dma_wait3A_377 = arith.constant 0 : i32
      %dma_wait3A_378 = tpu.memref_slice %arg2[%dma_wait3A_376, %dma_wait3A_377] : memref<100001x1024xf32, #tpu.memory_space<hbm>> -> memref<100001x1024xf32, #tpu.memory_space<hbm>>
      tpu.wait_indirect_dma semaphore(%arg22 : memref<!tpu.dma_semaphore, #tpu.memory_space<semaphore_mem>>) src(%dma_wait3A_378 : memref<100001x1024xf32, #tpu.memory_space<hbm>>) dst(%arg12 : memref<8x1024xf32, #tpu.memory_space<vmem>>)
      %add3A_379 = arith.constant 6 : i32
      %add3A_380 = arith.addi %mul3A_268, %add3A_379 : i32
      %mul3A_381 = arith.constant 8 : i32
      %mul3A_382 = arith.muli %add3A_380, %mul3A_381 : i32
      %add3A_383 = arith.addi %mul3A_2, %mul3A_382 : i32
      %dma_start3A_384 = arith.constant 0 : i32
      %dma_start3A_385 = tpu.memref_slice %arg4[%add3A_383, %dma_start3A_384] : memref<51200x1024xf32, #tpu.memory_space<hbm>> -> memref<8x1024xf32, #tpu.memory_space<hbm>>
      %dma_start3A_386 = arith.constant 0 : i32
      %dma_start3A_387 = tpu.memref_slice %arg4[%add3A_383, %dma_start3A_386] : memref<51200x1024xf32, #tpu.memory_space<hbm>> -> memref<8x1024xf32, #tpu.memory_space<hbm>>
      tpu.enqueue_dma source(%arg12 : memref<8x1024xf32, #tpu.memory_space<vmem>>) target(%dma_start3A_387 : memref<8x1024xf32, #tpu.memory_space<hbm>>) target_semaphore(%arg32 : memref<!tpu.dma_semaphore, #tpu.memory_space<semaphore_mem>>)
      %add3A_388 = arith.constant 7 : i32
      %add3A_389 = arith.addi %mul3A_268, %add3A_388 : i32
      %dma_wait3A_390 = arith.constant 0 : i32
      %dma_wait3A_391 = tpu.memref_slice %arg5[%add3A_389, %dma_wait3A_390] : memref<200x8xi32, #tpu.memory_space<vmem>> -> memref<1x8xi32, #tpu.memory_space<vmem>>
      %dma_wait3A_392 = tpu.memref_squeeze %dma_wait3A_391 : memref<1x8xi32, #tpu.memory_space<vmem>> -> memref<8xi32, #tpu.memory_space<vmem>>
      %dma_wait3A_393 = arith.constant 0 : i32
      %dma_wait3A_394 = arith.constant 0 : i32
      %dma_wait3A_395 = tpu.memref_slice %arg2[%dma_wait3A_393, %dma_wait3A_394] : memref<100001x1024xf32, #tpu.memory_space<hbm>> -> memref<100001x1024xf32, #tpu.memory_space<hbm>>
      tpu.wait_indirect_dma semaphore(%arg23 : memref<!tpu.dma_semaphore, #tpu.memory_space<semaphore_mem>>) src(%dma_wait3A_395 : memref<100001x1024xf32, #tpu.memory_space<hbm>>) dst(%arg13 : memref<8x1024xf32, #tpu.memory_space<vmem>>)
      %add3A_396 = arith.constant 7 : i32
      %add3A_397 = arith.addi %mul3A_268, %add3A_396 : i32
      %mul3A_398 = arith.constant 8 : i32
      %mul3A_399 = arith.muli %add3A_397, %mul3A_398 : i32
      %add3A_400 = arith.addi %mul3A_2, %mul3A_399 : i32
      %dma_start3A_401 = arith.constant 0 : i32
      %dma_start3A_402 = tpu.memref_slice %arg4[%add3A_400, %dma_start3A_401] : memref<51200x1024xf32, #tpu.memory_space<hbm>> -> memref<8x1024xf32, #tpu.memory_space<hbm>>
      %dma_start3A_403 = arith.constant 0 : i32
      %dma_start3A_404 = tpu.memref_slice %arg4[%add3A_400, %dma_start3A_403] : memref<51200x1024xf32, #tpu.memory_space<hbm>> -> memref<8x1024xf32, #tpu.memory_space<hbm>>
      tpu.enqueue_dma source(%arg13 : memref<8x1024xf32, #tpu.memory_space<vmem>>) target(%dma_start3A_404 : memref<8x1024xf32, #tpu.memory_space<hbm>>) target_semaphore(%arg33 : memref<!tpu.dma_semaphore, #tpu.memory_space<semaphore_mem>>)
      %add3A_405 = arith.constant 8 : i32
      %add3A_406 = arith.addi %mul3A_268, %add3A_405 : i32
      %dma_wait3A_407 = arith.constant 0 : i32
      %dma_wait3A_408 = tpu.memref_slice %arg5[%add3A_406, %dma_wait3A_407] : memref<200x8xi32, #tpu.memory_space<vmem>> -> memref<1x8xi32, #tpu.memory_space<vmem>>
      %dma_wait3A_409 = tpu.memref_squeeze %dma_wait3A_408 : memref<1x8xi32, #tpu.memory_space<vmem>> -> memref<8xi32, #tpu.memory_space<vmem>>
      %dma_wait3A_410 = arith.constant 0 : i32
      %dma_wait3A_411 = arith.constant 0 : i32
      %dma_wait3A_412 = tpu.memref_slice %arg2[%dma_wait3A_410, %dma_wait3A_411] : memref<100001x1024xf32, #tpu.memory_space<hbm>> -> memref<100001x1024xf32, #tpu.memory_space<hbm>>
      tpu.wait_indirect_dma semaphore(%arg24 : memref<!tpu.dma_semaphore, #tpu.memory_space<semaphore_mem>>) src(%dma_wait3A_412 : memref<100001x1024xf32, #tpu.memory_space<hbm>>) dst(%arg14 : memref<8x1024xf32, #tpu.memory_space<vmem>>)
      %add3A_413 = arith.constant 8 : i32
      %add3A_414 = arith.addi %mul3A_268, %add3A_413 : i32
      %mul3A_415 = arith.constant 8 : i32
      %mul3A_416 = arith.muli %add3A_414, %mul3A_415 : i32
      %add3A_417 = arith.addi %mul3A_2, %mul3A_416 : i32
      %dma_start3A_418 = arith.constant 0 : i32
      %dma_start3A_419 = tpu.memref_slice %arg4[%add3A_417, %dma_start3A_418] : memref<51200x1024xf32, #tpu.memory_space<hbm>> -> memref<8x1024xf32, #tpu.memory_space<hbm>>
      %dma_start3A_420 = arith.constant 0 : i32
      %dma_start3A_421 = tpu.memref_slice %arg4[%add3A_417, %dma_start3A_420] : memref<51200x1024xf32, #tpu.memory_space<hbm>> -> memref<8x1024xf32, #tpu.memory_space<hbm>>
      tpu.enqueue_dma source(%arg14 : memref<8x1024xf32, #tpu.memory_space<vmem>>) target(%dma_start3A_421 : memref<8x1024xf32, #tpu.memory_space<hbm>>) target_semaphore(%arg34 : memref<!tpu.dma_semaphore, #tpu.memory_space<semaphore_mem>>)
      %add3A_422 = arith.constant 9 : i32
      %add3A_423 = arith.addi %mul3A_268, %add3A_422 : i32
      %dma_wait3A_424 = arith.constant 0 : i32
      %dma_wait3A_425 = tpu.memref_slice %arg5[%add3A_423, %dma_wait3A_424] : memref<200x8xi32, #tpu.memory_space<vmem>> -> memref<1x8xi32, #tpu.memory_space<vmem>>
      %dma_wait3A_426 = tpu.memref_squeeze %dma_wait3A_425 : memref<1x8xi32, #tpu.memory_space<vmem>> -> memref<8xi32, #tpu.memory_space<vmem>>
      %dma_wait3A_427 = arith.constant 0 : i32
      %dma_wait3A_428 = arith.constant 0 : i32
      %dma_wait3A_429 = tpu.memref_slice %arg2[%dma_wait3A_427, %dma_wait3A_428] : memref<100001x1024xf32, #tpu.memory_space<hbm>> -> memref<100001x1024xf32, #tpu.memory_space<hbm>>
      tpu.wait_indirect_dma semaphore(%arg25 : memref<!tpu.dma_semaphore, #tpu.memory_space<semaphore_mem>>) src(%dma_wait3A_429 : memref<100001x1024xf32, #tpu.memory_space<hbm>>) dst(%arg15 : memref<8x1024xf32, #tpu.memory_space<vmem>>)
      %add3A_430 = arith.constant 9 : i32
      %add3A_431 = arith.addi %mul3A_268, %add3A_430 : i32
      %mul3A_432 = arith.constant 8 : i32
      %mul3A_433 = arith.muli %add3A_431, %mul3A_432 : i32
      %add3A_434 = arith.addi %mul3A_2, %mul3A_433 : i32
      %dma_start3A_435 = arith.constant 0 : i32
      %dma_start3A_436 = tpu.memref_slice %arg4[%add3A_434, %dma_start3A_435] : memref<51200x1024xf32, #tpu.memory_space<hbm>> -> memref<8x1024xf32, #tpu.memory_space<hbm>>
      %dma_start3A_437 = arith.constant 0 : i32
      %dma_start3A_438 = tpu.memref_slice %arg4[%add3A_434, %dma_start3A_437] : memref<51200x1024xf32, #tpu.memory_space<hbm>> -> memref<8x1024xf32, #tpu.memory_space<hbm>>
      tpu.enqueue_dma source(%arg15 : memref<8x1024xf32, #tpu.memory_space<vmem>>) target(%dma_start3A_438 : memref<8x1024xf32, #tpu.memory_space<hbm>>) target_semaphore(%arg35 : memref<!tpu.dma_semaphore, #tpu.memory_space<semaphore_mem>>)
      %add3A_439 = arith.constant 0 : i32
      %add3A_440 = arith.addi %mul3A_268, %add3A_439 : i32
      %mul3A_441 = arith.constant 8 : i32
      %mul3A_442 = arith.muli %add3A_440, %mul3A_441 : i32
      %add3A_443 = arith.addi %mul3A_2, %mul3A_442 : i32
      %dma_wait3A_444 = arith.constant 0 : i32
      %dma_wait3A_445 = tpu.memref_slice %arg4[%add3A_443, %dma_wait3A_444] : memref<51200x1024xf32, #tpu.memory_space<hbm>> -> memref<8x1024xf32, #tpu.memory_space<hbm>>
      %dma_wait3A_446 = arith.constant 0 : i32
      %dma_wait3A_447 = tpu.memref_slice %arg4[%add3A_443, %dma_wait3A_446] : memref<51200x1024xf32, #tpu.memory_space<hbm>> -> memref<8x1024xf32, #tpu.memory_space<hbm>>
      tpu.wait_dma2 semaphore(%arg26 : memref<!tpu.dma_semaphore, #tpu.memory_space<semaphore_mem>>) src(%arg6 : memref<8x1024xf32, #tpu.memory_space<vmem>>) dst(%dma_wait3A_447 : memref<8x1024xf32, #tpu.memory_space<hbm>>)
      %add3A_448 = arith.constant 10 : i32
      %add3A_449 = arith.addi %mul3A_268, %add3A_448 : i32
      %add3A_450 = arith.constant 0 : i32
      %add3A_451 = arith.addi %add3A_449, %add3A_450 : i32
      %dma_start3A_452 = arith.constant 0 : i32
      %dma_start3A_453 = tpu.memref_slice %arg5[%add3A_451, %dma_start3A_452] : memref<200x8xi32, #tpu.memory_space<vmem>> -> memref<1x8xi32, #tpu.memory_space<vmem>>
      %dma_start3A_454 = tpu.memref_squeeze %dma_start3A_453 : memref<1x8xi32, #tpu.memory_space<vmem>> -> memref<8xi32, #tpu.memory_space<vmem>>
      %dma_start3A_455 = arith.constant 0 : i32
      %dma_start3A_456 = arith.constant 0 : i32
      %dma_start3A_457 = tpu.memref_slice %arg2[%dma_start3A_455, %dma_start3A_456] : memref<100001x1024xf32, #tpu.memory_space<hbm>> -> memref<100001x1024xf32, #tpu.memory_space<hbm>>
      tpu.enqueue_indirect_dma source(%dma_start3A_457 : memref<100001x1024xf32, #tpu.memory_space<hbm>>) target(%arg6 : memref<8x1024xf32, #tpu.memory_space<vmem>>) offsets(%dma_start3A_454 : memref<8xi32, #tpu.memory_space<vmem>>) semaphore(%arg16 : memref<!tpu.dma_semaphore, #tpu.memory_space<semaphore_mem>>)
      %add3A_458 = arith.constant 1 : i32
      %add3A_459 = arith.addi %mul3A_268, %add3A_458 : i32
      %mul3A_460 = arith.constant 8 : i32
      %mul3A_461 = arith.muli %add3A_459, %mul3A_460 : i32
      %add3A_462 = arith.addi %mul3A_2, %mul3A_461 : i32
      %dma_wait3A_463 = arith.constant 0 : i32
      %dma_wait3A_464 = tpu.memref_slice %arg4[%add3A_462, %dma_wait3A_463] : memref<51200x1024xf32, #tpu.memory_space<hbm>> -> memref<8x1024xf32, #tpu.memory_space<hbm>>
      %dma_wait3A_465 = arith.constant 0 : i32
      %dma_wait3A_466 = tpu.memref_slice %arg4[%add3A_462, %dma_wait3A_465] : memref<51200x1024xf32, #tpu.memory_space<hbm>> -> memref<8x1024xf32, #tpu.memory_space<hbm>>
      tpu.wait_dma2 semaphore(%arg27 : memref<!tpu.dma_semaphore, #tpu.memory_space<semaphore_mem>>) src(%arg7 : memref<8x1024xf32, #tpu.memory_space<vmem>>) dst(%dma_wait3A_466 : memref<8x1024xf32, #tpu.memory_space<hbm>>)
      %add3A_467 = arith.constant 10 : i32
      %add3A_468 = arith.addi %mul3A_268, %add3A_467 : i32
      %add3A_469 = arith.constant 1 : i32
      %add3A_470 = arith.addi %add3A_468, %add3A_469 : i32
      %dma_start3A_471 = arith.constant 0 : i32
      %dma_start3A_472 = tpu.memref_slice %arg5[%add3A_470, %dma_start3A_471] : memref<200x8xi32, #tpu.memory_space<vmem>> -> memref<1x8xi32, #tpu.memory_space<vmem>>
      %dma_start3A_473 = tpu.memref_squeeze %dma_start3A_472 : memref<1x8xi32, #tpu.memory_space<vmem>> -> memref<8xi32, #tpu.memory_space<vmem>>
      %dma_start3A_474 = arith.constant 0 : i32
      %dma_start3A_475 = arith.constant 0 : i32
      %dma_start3A_476 = tpu.memref_slice %arg2[%dma_start3A_474, %dma_start3A_475] : memref<100001x1024xf32, #tpu.memory_space<hbm>> -> memref<100001x1024xf32, #tpu.memory_space<hbm>>
      tpu.enqueue_indirect_dma source(%dma_start3A_476 : memref<100001x1024xf32, #tpu.memory_space<hbm>>) target(%arg7 : memref<8x1024xf32, #tpu.memory_space<vmem>>) offsets(%dma_start3A_473 : memref<8xi32, #tpu.memory_space<vmem>>) semaphore(%arg17 : memref<!tpu.dma_semaphore, #tpu.memory_space<semaphore_mem>>)
      %add3A_477 = arith.constant 2 : i32
      %add3A_478 = arith.addi %mul3A_268, %add3A_477 : i32
      %mul3A_479 = arith.constant 8 : i32
      %mul3A_480 = arith.muli %add3A_478, %mul3A_479 : i32
      %add3A_481 = arith.addi %mul3A_2, %mul3A_480 : i32
      %dma_wait3A_482 = arith.constant 0 : i32
      %dma_wait3A_483 = tpu.memref_slice %arg4[%add3A_481, %dma_wait3A_482] : memref<51200x1024xf32, #tpu.memory_space<hbm>> -> memref<8x1024xf32, #tpu.memory_space<hbm>>
      %dma_wait3A_484 = arith.constant 0 : i32
      %dma_wait3A_485 = tpu.memref_slice %arg4[%add3A_481, %dma_wait3A_484] : memref<51200x1024xf32, #tpu.memory_space<hbm>> -> memref<8x1024xf32, #tpu.memory_space<hbm>>
      tpu.wait_dma2 semaphore(%arg28 : memref<!tpu.dma_semaphore, #tpu.memory_space<semaphore_mem>>) src(%arg8 : memref<8x1024xf32, #tpu.memory_space<vmem>>) dst(%dma_wait3A_485 : memref<8x1024xf32, #tpu.memory_space<hbm>>)
      %add3A_486 = arith.constant 10 : i32
      %add3A_487 = arith.addi %mul3A_268, %add3A_486 : i32
      %add3A_488 = arith.constant 2 : i32
      %add3A_489 = arith.addi %add3A_487, %add3A_488 : i32
      %dma_start3A_490 = arith.constant 0 : i32
      %dma_start3A_491 = tpu.memref_slice %arg5[%add3A_489, %dma_start3A_490] : memref<200x8xi32, #tpu.memory_space<vmem>> -> memref<1x8xi32, #tpu.memory_space<vmem>>
      %dma_start3A_492 = tpu.memref_squeeze %dma_start3A_491 : memref<1x8xi32, #tpu.memory_space<vmem>> -> memref<8xi32, #tpu.memory_space<vmem>>
      %dma_start3A_493 = arith.constant 0 : i32
      %dma_start3A_494 = arith.constant 0 : i32
      %dma_start3A_495 = tpu.memref_slice %arg2[%dma_start3A_493, %dma_start3A_494] : memref<100001x1024xf32, #tpu.memory_space<hbm>> -> memref<100001x1024xf32, #tpu.memory_space<hbm>>
      tpu.enqueue_indirect_dma source(%dma_start3A_495 : memref<100001x1024xf32, #tpu.memory_space<hbm>>) target(%arg8 : memref<8x1024xf32, #tpu.memory_space<vmem>>) offsets(%dma_start3A_492 : memref<8xi32, #tpu.memory_space<vmem>>) semaphore(%arg18 : memref<!tpu.dma_semaphore, #tpu.memory_space<semaphore_mem>>)
      %add3A_496 = arith.constant 3 : i32
      %add3A_497 = arith.addi %mul3A_268, %add3A_496 : i32
      %mul3A_498 = arith.constant 8 : i32
      %mul3A_499 = arith.muli %add3A_497, %mul3A_498 : i32
      %add3A_500 = arith.addi %mul3A_2, %mul3A_499 : i32
      %dma_wait3A_501 = arith.constant 0 : i32
      %dma_wait3A_502 = tpu.memref_slice %arg4[%add3A_500, %dma_wait3A_501] : memref<51200x1024xf32, #tpu.memory_space<hbm>> -> memref<8x1024xf32, #tpu.memory_space<hbm>>
      %dma_wait3A_503 = arith.constant 0 : i32
      %dma_wait3A_504 = tpu.memref_slice %arg4[%add3A_500, %dma_wait3A_503] : memref<51200x1024xf32, #tpu.memory_space<hbm>> -> memref<8x1024xf32, #tpu.memory_space<hbm>>
      tpu.wait_dma2 semaphore(%arg29 : memref<!tpu.dma_semaphore, #tpu.memory_space<semaphore_mem>>) src(%arg9 : memref<8x1024xf32, #tpu.memory_space<vmem>>) dst(%dma_wait3A_504 : memref<8x1024xf32, #tpu.memory_space<hbm>>)
      %add3A_505 = arith.constant 10 : i32
      %add3A_506 = arith.addi %mul3A_268, %add3A_505 : i32
      %add3A_507 = arith.constant 3 : i32
      %add3A_508 = arith.addi %add3A_506, %add3A_507 : i32
      %dma_start3A_509 = arith.constant 0 : i32
      %dma_start3A_510 = tpu.memref_slice %arg5[%add3A_508, %dma_start3A_509] : memref<200x8xi32, #tpu.memory_space<vmem>> -> memref<1x8xi32, #tpu.memory_space<vmem>>
      %dma_start3A_511 = tpu.memref_squeeze %dma_start3A_510 : memref<1x8xi32, #tpu.memory_space<vmem>> -> memref<8xi32, #tpu.memory_space<vmem>>
      %dma_start3A_512 = arith.constant 0 : i32
      %dma_start3A_513 = arith.constant 0 : i32
      %dma_start3A_514 = tpu.memref_slice %arg2[%dma_start3A_512, %dma_start3A_513] : memref<100001x1024xf32, #tpu.memory_space<hbm>> -> memref<100001x1024xf32, #tpu.memory_space<hbm>>
      tpu.enqueue_indirect_dma source(%dma_start3A_514 : memref<100001x1024xf32, #tpu.memory_space<hbm>>) target(%arg9 : memref<8x1024xf32, #tpu.memory_space<vmem>>) offsets(%dma_start3A_511 : memref<8xi32, #tpu.memory_space<vmem>>) semaphore(%arg19 : memref<!tpu.dma_semaphore, #tpu.memory_space<semaphore_mem>>)
      %add3A_515 = arith.constant 4 : i32
      %add3A_516 = arith.addi %mul3A_268, %add3A_515 : i32
      %mul3A_517 = arith.constant 8 : i32
      %mul3A_518 = arith.muli %add3A_516, %mul3A_517 : i32
      %add3A_519 = arith.addi %mul3A_2, %mul3A_518 : i32
      %dma_wait3A_520 = arith.constant 0 : i32
      %dma_wait3A_521 = tpu.memref_slice %arg4[%add3A_519, %dma_wait3A_520] : memref<51200x1024xf32, #tpu.memory_space<hbm>> -> memref<8x1024xf32, #tpu.memory_space<hbm>>
      %dma_wait3A_522 = arith.constant 0 : i32
      %dma_wait3A_523 = tpu.memref_slice %arg4[%add3A_519, %dma_wait3A_522] : memref<51200x1024xf32, #tpu.memory_space<hbm>> -> memref<8x1024xf32, #tpu.memory_space<hbm>>
      tpu.wait_dma2 semaphore(%arg30 : memref<!tpu.dma_semaphore, #tpu.memory_space<semaphore_mem>>) src(%arg10 : memref<8x1024xf32, #tpu.memory_space<vmem>>) dst(%dma_wait3A_523 : memref<8x1024xf32, #tpu.memory_space<hbm>>)
      %add3A_524 = arith.constant 10 : i32
      %add3A_525 = arith.addi %mul3A_268, %add3A_524 : i32
      %add3A_526 = arith.constant 4 : i32
      %add3A_527 = arith.addi %add3A_525, %add3A_526 : i32
      %dma_start3A_528 = arith.constant 0 : i32
      %dma_start3A_529 = tpu.memref_slice %arg5[%add3A_527, %dma_start3A_528] : memref<200x8xi32, #tpu.memory_space<vmem>> -> memref<1x8xi32, #tpu.memory_space<vmem>>
      %dma_start3A_530 = tpu.memref_squeeze %dma_start3A_529 : memref<1x8xi32, #tpu.memory_space<vmem>> -> memref<8xi32, #tpu.memory_space<vmem>>
      %dma_start3A_531 = arith.constant 0 : i32
      %dma_start3A_532 = arith.constant 0 : i32
      %dma_start3A_533 = tpu.memref_slice %arg2[%dma_start3A_531, %dma_start3A_532] : memref<100001x1024xf32, #tpu.memory_space<hbm>> -> memref<100001x1024xf32, #tpu.memory_space<hbm>>
      tpu.enqueue_indirect_dma source(%dma_start3A_533 : memref<100001x1024xf32, #tpu.memory_space<hbm>>) target(%arg10 : memref<8x1024xf32, #tpu.memory_space<vmem>>) offsets(%dma_start3A_530 : memref<8xi32, #tpu.memory_space<vmem>>) semaphore(%arg20 : memref<!tpu.dma_semaphore, #tpu.memory_space<semaphore_mem>>)
      %add3A_534 = arith.constant 5 : i32
      %add3A_535 = arith.addi %mul3A_268, %add3A_534 : i32
      %mul3A_536 = arith.constant 8 : i32
      %mul3A_537 = arith.muli %add3A_535, %mul3A_536 : i32
      %add3A_538 = arith.addi %mul3A_2, %mul3A_537 : i32
      %dma_wait3A_539 = arith.constant 0 : i32
      %dma_wait3A_540 = tpu.memref_slice %arg4[%add3A_538, %dma_wait3A_539] : memref<51200x1024xf32, #tpu.memory_space<hbm>> -> memref<8x1024xf32, #tpu.memory_space<hbm>>
      %dma_wait3A_541 = arith.constant 0 : i32
      %dma_wait3A_542 = tpu.memref_slice %arg4[%add3A_538, %dma_wait3A_541] : memref<51200x1024xf32, #tpu.memory_space<hbm>> -> memref<8x1024xf32, #tpu.memory_space<hbm>>
      tpu.wait_dma2 semaphore(%arg31 : memref<!tpu.dma_semaphore, #tpu.memory_space<semaphore_mem>>) src(%arg11 : memref<8x1024xf32, #tpu.memory_space<vmem>>) dst(%dma_wait3A_542 : memref<8x1024xf32, #tpu.memory_space<hbm>>)
      %add3A_543 = arith.constant 10 : i32
      %add3A_544 = arith.addi %mul3A_268, %add3A_543 : i32
      %add3A_545 = arith.constant 5 : i32
      %add3A_546 = arith.addi %add3A_544, %add3A_545 : i32
      %dma_start3A_547 = arith.constant 0 : i32
      %dma_start3A_548 = tpu.memref_slice %arg5[%add3A_546, %dma_start3A_547] : memref<200x8xi32, #tpu.memory_space<vmem>> -> memref<1x8xi32, #tpu.memory_space<vmem>>
      %dma_start3A_549 = tpu.memref_squeeze %dma_start3A_548 : memref<1x8xi32, #tpu.memory_space<vmem>> -> memref<8xi32, #tpu.memory_space<vmem>>
      %dma_start3A_550 = arith.constant 0 : i32
      %dma_start3A_551 = arith.constant 0 : i32
      %dma_start3A_552 = tpu.memref_slice %arg2[%dma_start3A_550, %dma_start3A_551] : memref<100001x1024xf32, #tpu.memory_space<hbm>> -> memref<100001x1024xf32, #tpu.memory_space<hbm>>
      tpu.enqueue_indirect_dma source(%dma_start3A_552 : memref<100001x1024xf32, #tpu.memory_space<hbm>>) target(%arg11 : memref<8x1024xf32, #tpu.memory_space<vmem>>) offsets(%dma_start3A_549 : memref<8xi32, #tpu.memory_space<vmem>>) semaphore(%arg21 : memref<!tpu.dma_semaphore, #tpu.memory_space<semaphore_mem>>)
      %add3A_553 = arith.constant 6 : i32
      %add3A_554 = arith.addi %mul3A_268, %add3A_553 : i32
      %mul3A_555 = arith.constant 8 : i32
      %mul3A_556 = arith.muli %add3A_554, %mul3A_555 : i32
      %add3A_557 = arith.addi %mul3A_2, %mul3A_556 : i32
      %dma_wait3A_558 = arith.constant 0 : i32
      %dma_wait3A_559 = tpu.memref_slice %arg4[%add3A_557, %dma_wait3A_558] : memref<51200x1024xf32, #tpu.memory_space<hbm>> -> memref<8x1024xf32, #tpu.memory_space<hbm>>
      %dma_wait3A_560 = arith.constant 0 : i32
      %dma_wait3A_561 = tpu.memref_slice %arg4[%add3A_557, %dma_wait3A_560] : memref<51200x1024xf32, #tpu.memory_space<hbm>> -> memref<8x1024xf32, #tpu.memory_space<hbm>>
      tpu.wait_dma2 semaphore(%arg32 : memref<!tpu.dma_semaphore, #tpu.memory_space<semaphore_mem>>) src(%arg12 : memref<8x1024xf32, #tpu.memory_space<vmem>>) dst(%dma_wait3A_561 : memref<8x1024xf32, #tpu.memory_space<hbm>>)
      %add3A_562 = arith.constant 10 : i32
      %add3A_563 = arith.addi %mul3A_268, %add3A_562 : i32
      %add3A_564 = arith.constant 6 : i32
      %add3A_565 = arith.addi %add3A_563, %add3A_564 : i32
      %dma_start3A_566 = arith.constant 0 : i32
      %dma_start3A_567 = tpu.memref_slice %arg5[%add3A_565, %dma_start3A_566] : memref<200x8xi32, #tpu.memory_space<vmem>> -> memref<1x8xi32, #tpu.memory_space<vmem>>
      %dma_start3A_568 = tpu.memref_squeeze %dma_start3A_567 : memref<1x8xi32, #tpu.memory_space<vmem>> -> memref<8xi32, #tpu.memory_space<vmem>>
      %dma_start3A_569 = arith.constant 0 : i32
      %dma_start3A_570 = arith.constant 0 : i32
      %dma_start3A_571 = tpu.memref_slice %arg2[%dma_start3A_569, %dma_start3A_570] : memref<100001x1024xf32, #tpu.memory_space<hbm>> -> memref<100001x1024xf32, #tpu.memory_space<hbm>>
      tpu.enqueue_indirect_dma source(%dma_start3A_571 : memref<100001x1024xf32, #tpu.memory_space<hbm>>) target(%arg12 : memref<8x1024xf32, #tpu.memory_space<vmem>>) offsets(%dma_start3A_568 : memref<8xi32, #tpu.memory_space<vmem>>) semaphore(%arg22 : memref<!tpu.dma_semaphore, #tpu.memory_space<semaphore_mem>>)
      %add3A_572 = arith.constant 7 : i32
      %add3A_573 = arith.addi %mul3A_268, %add3A_572 : i32
      %mul3A_574 = arith.constant 8 : i32
      %mul3A_575 = arith.muli %add3A_573, %mul3A_574 : i32
      %add3A_576 = arith.addi %mul3A_2, %mul3A_575 : i32
      %dma_wait3A_577 = arith.constant 0 : i32
      %dma_wait3A_578 = tpu.memref_slice %arg4[%add3A_576, %dma_wait3A_577] : memref<51200x1024xf32, #tpu.memory_space<hbm>> -> memref<8x1024xf32, #tpu.memory_space<hbm>>
      %dma_wait3A_579 = arith.constant 0 : i32
      %dma_wait3A_580 = tpu.memref_slice %arg4[%add3A_576, %dma_wait3A_579] : memref<51200x1024xf32, #tpu.memory_space<hbm>> -> memref<8x1024xf32, #tpu.memory_space<hbm>>
      tpu.wait_dma2 semaphore(%arg33 : memref<!tpu.dma_semaphore, #tpu.memory_space<semaphore_mem>>) src(%arg13 : memref<8x1024xf32, #tpu.memory_space<vmem>>) dst(%dma_wait3A_580 : memref<8x1024xf32, #tpu.memory_space<hbm>>)
      %add3A_581 = arith.constant 10 : i32
      %add3A_582 = arith.addi %mul3A_268, %add3A_581 : i32
      %add3A_583 = arith.constant 7 : i32
      %add3A_584 = arith.addi %add3A_582, %add3A_583 : i32
      %dma_start3A_585 = arith.constant 0 : i32
      %dma_start3A_586 = tpu.memref_slice %arg5[%add3A_584, %dma_start3A_585] : memref<200x8xi32, #tpu.memory_space<vmem>> -> memref<1x8xi32, #tpu.memory_space<vmem>>
      %dma_start3A_587 = tpu.memref_squeeze %dma_start3A_586 : memref<1x8xi32, #tpu.memory_space<vmem>> -> memref<8xi32, #tpu.memory_space<vmem>>
      %dma_start3A_588 = arith.constant 0 : i32
      %dma_start3A_589 = arith.constant 0 : i32
      %dma_start3A_590 = tpu.memref_slice %arg2[%dma_start3A_588, %dma_start3A_589] : memref<100001x1024xf32, #tpu.memory_space<hbm>> -> memref<100001x1024xf32, #tpu.memory_space<hbm>>
      tpu.enqueue_indirect_dma source(%dma_start3A_590 : memref<100001x1024xf32, #tpu.memory_space<hbm>>) target(%arg13 : memref<8x1024xf32, #tpu.memory_space<vmem>>) offsets(%dma_start3A_587 : memref<8xi32, #tpu.memory_space<vmem>>) semaphore(%arg23 : memref<!tpu.dma_semaphore, #tpu.memory_space<semaphore_mem>>)
      %add3A_591 = arith.constant 8 : i32
      %add3A_592 = arith.addi %mul3A_268, %add3A_591 : i32
      %mul3A_593 = arith.constant 8 : i32
      %mul3A_594 = arith.muli %add3A_592, %mul3A_593 : i32
      %add3A_595 = arith.addi %mul3A_2, %mul3A_594 : i32
      %dma_wait3A_596 = arith.constant 0 : i32
      %dma_wait3A_597 = tpu.memref_slice %arg4[%add3A_595, %dma_wait3A_596] : memref<51200x1024xf32, #tpu.memory_space<hbm>> -> memref<8x1024xf32, #tpu.memory_space<hbm>>
      %dma_wait3A_598 = arith.constant 0 : i32
      %dma_wait3A_599 = tpu.memref_slice %arg4[%add3A_595, %dma_wait3A_598] : memref<51200x1024xf32, #tpu.memory_space<hbm>> -> memref<8x1024xf32, #tpu.memory_space<hbm>>
      tpu.wait_dma2 semaphore(%arg34 : memref<!tpu.dma_semaphore, #tpu.memory_space<semaphore_mem>>) src(%arg14 : memref<8x1024xf32, #tpu.memory_space<vmem>>) dst(%dma_wait3A_599 : memref<8x1024xf32, #tpu.memory_space<hbm>>)
      %add3A_600 = arith.constant 10 : i32
      %add3A_601 = arith.addi %mul3A_268, %add3A_600 : i32
      %add3A_602 = arith.constant 8 : i32
      %add3A_603 = arith.addi %add3A_601, %add3A_602 : i32
      %dma_start3A_604 = arith.constant 0 : i32
      %dma_start3A_605 = tpu.memref_slice %arg5[%add3A_603, %dma_start3A_604] : memref<200x8xi32, #tpu.memory_space<vmem>> -> memref<1x8xi32, #tpu.memory_space<vmem>>
      %dma_start3A_606 = tpu.memref_squeeze %dma_start3A_605 : memref<1x8xi32, #tpu.memory_space<vmem>> -> memref<8xi32, #tpu.memory_space<vmem>>
      %dma_start3A_607 = arith.constant 0 : i32
      %dma_start3A_608 = arith.constant 0 : i32
      %dma_start3A_609 = tpu.memref_slice %arg2[%dma_start3A_607, %dma_start3A_608] : memref<100001x1024xf32, #tpu.memory_space<hbm>> -> memref<100001x1024xf32, #tpu.memory_space<hbm>>
      tpu.enqueue_indirect_dma source(%dma_start3A_609 : memref<100001x1024xf32, #tpu.memory_space<hbm>>) target(%arg14 : memref<8x1024xf32, #tpu.memory_space<vmem>>) offsets(%dma_start3A_606 : memref<8xi32, #tpu.memory_space<vmem>>) semaphore(%arg24 : memref<!tpu.dma_semaphore, #tpu.memory_space<semaphore_mem>>)
      %add3A_610 = arith.constant 9 : i32
      %add3A_611 = arith.addi %mul3A_268, %add3A_610 : i32
      %mul3A_612 = arith.constant 8 : i32
      %mul3A_613 = arith.muli %add3A_611, %mul3A_612 : i32
      %add3A_614 = arith.addi %mul3A_2, %mul3A_613 : i32
      %dma_wait3A_615 = arith.constant 0 : i32
      %dma_wait3A_616 = tpu.memref_slice %arg4[%add3A_614, %dma_wait3A_615] : memref<51200x1024xf32, #tpu.memory_space<hbm>> -> memref<8x1024xf32, #tpu.memory_space<hbm>>
      %dma_wait3A_617 = arith.constant 0 : i32
      %dma_wait3A_618 = tpu.memref_slice %arg4[%add3A_614, %dma_wait3A_617] : memref<51200x1024xf32, #tpu.memory_space<hbm>> -> memref<8x1024xf32, #tpu.memory_space<hbm>>
      tpu.wait_dma2 semaphore(%arg35 : memref<!tpu.dma_semaphore, #tpu.memory_space<semaphore_mem>>) src(%arg15 : memref<8x1024xf32, #tpu.memory_space<vmem>>) dst(%dma_wait3A_618 : memref<8x1024xf32, #tpu.memory_space<hbm>>)
      %add3A_619 = arith.constant 10 : i32
      %add3A_620 = arith.addi %mul3A_268, %add3A_619 : i32
      %add3A_621 = arith.constant 9 : i32
      %add3A_622 = arith.addi %add3A_620, %add3A_621 : i32
      %dma_start3A_623 = arith.constant 0 : i32
      %dma_start3A_624 = tpu.memref_slice %arg5[%add3A_622, %dma_start3A_623] : memref<200x8xi32, #tpu.memory_space<vmem>> -> memref<1x8xi32, #tpu.memory_space<vmem>>
      %dma_start3A_625 = tpu.memref_squeeze %dma_start3A_624 : memref<1x8xi32, #tpu.memory_space<vmem>> -> memref<8xi32, #tpu.memory_space<vmem>>
      %dma_start3A_626 = arith.constant 0 : i32
      %dma_start3A_627 = arith.constant 0 : i32
      %dma_start3A_628 = tpu.memref_slice %arg2[%dma_start3A_626, %dma_start3A_627] : memref<100001x1024xf32, #tpu.memory_space<hbm>> -> memref<100001x1024xf32, #tpu.memory_space<hbm>>
      tpu.enqueue_indirect_dma source(%dma_start3A_628 : memref<100001x1024xf32, #tpu.memory_space<hbm>>) target(%arg15 : memref<8x1024xf32, #tpu.memory_space<vmem>>) offsets(%dma_start3A_625 : memref<8xi32, #tpu.memory_space<vmem>>) semaphore(%arg25 : memref<!tpu.dma_semaphore, #tpu.memory_space<semaphore_mem>>)
    }
    %scan3A_76 = arith.constant 19 : i32
    %dma_wait3A = arith.constant 190 : i32
    %dma_wait3A_77 = arith.constant 0 : i32
    %dma_wait3A_78 = tpu.memref_slice %arg5[%dma_wait3A, %dma_wait3A_77] : memref<200x8xi32, #tpu.memory_space<vmem>> -> memref<1x8xi32, #tpu.memory_space<vmem>>
    %dma_wait3A_79 = tpu.memref_squeeze %dma_wait3A_78 : memref<1x8xi32, #tpu.memory_space<vmem>> -> memref<8xi32, #tpu.memory_space<vmem>>
    %dma_wait3A_80 = arith.constant 0 : i32
    %dma_wait3A_81 = arith.constant 0 : i32
    %dma_wait3A_82 = tpu.memref_slice %arg2[%dma_wait3A_80, %dma_wait3A_81] : memref<100001x1024xf32, #tpu.memory_space<hbm>> -> memref<100001x1024xf32, #tpu.memory_space<hbm>>
    tpu.wait_indirect_dma semaphore(%arg16 : memref<!tpu.dma_semaphore, #tpu.memory_space<semaphore_mem>>) src(%dma_wait3A_82 : memref<100001x1024xf32, #tpu.memory_space<hbm>>) dst(%arg6 : memref<8x1024xf32, #tpu.memory_space<vmem>>)
    %add3A_83 = arith.constant 1520 : i32
    %add3A_84 = arith.addi %mul3A_2, %add3A_83 : i32
    %dma_start3A_85 = arith.constant 0 : i32
    %dma_start3A_86 = tpu.memref_slice %arg4[%add3A_84, %dma_start3A_85] : memref<51200x1024xf32, #tpu.memory_space<hbm>> -> memref<8x1024xf32, #tpu.memory_space<hbm>>
    %dma_start3A_87 = arith.constant 0 : i32
    %dma_start3A_88 = tpu.memref_slice %arg4[%add3A_84, %dma_start3A_87] : memref<51200x1024xf32, #tpu.memory_space<hbm>> -> memref<8x1024xf32, #tpu.memory_space<hbm>>
    tpu.enqueue_dma source(%arg6 : memref<8x1024xf32, #tpu.memory_space<vmem>>) target(%dma_start3A_88 : memref<8x1024xf32, #tpu.memory_space<hbm>>) target_semaphore(%arg26 : memref<!tpu.dma_semaphore, #tpu.memory_space<semaphore_mem>>)
    %dma_wait3A_89 = arith.constant 191 : i32
    %dma_wait3A_90 = arith.constant 0 : i32
    %dma_wait3A_91 = tpu.memref_slice %arg5[%dma_wait3A_89, %dma_wait3A_90] : memref<200x8xi32, #tpu.memory_space<vmem>> -> memref<1x8xi32, #tpu.memory_space<vmem>>
    %dma_wait3A_92 = tpu.memref_squeeze %dma_wait3A_91 : memref<1x8xi32, #tpu.memory_space<vmem>> -> memref<8xi32, #tpu.memory_space<vmem>>
    %dma_wait3A_93 = arith.constant 0 : i32
    %dma_wait3A_94 = arith.constant 0 : i32
    %dma_wait3A_95 = tpu.memref_slice %arg2[%dma_wait3A_93, %dma_wait3A_94] : memref<100001x1024xf32, #tpu.memory_space<hbm>> -> memref<100001x1024xf32, #tpu.memory_space<hbm>>
    tpu.wait_indirect_dma semaphore(%arg17 : memref<!tpu.dma_semaphore, #tpu.memory_space<semaphore_mem>>) src(%dma_wait3A_95 : memref<100001x1024xf32, #tpu.memory_space<hbm>>) dst(%arg7 : memref<8x1024xf32, #tpu.memory_space<vmem>>)
    %add3A_96 = arith.constant 1528 : i32
    %add3A_97 = arith.addi %mul3A_2, %add3A_96 : i32
    %dma_start3A_98 = arith.constant 0 : i32
    %dma_start3A_99 = tpu.memref_slice %arg4[%add3A_97, %dma_start3A_98] : memref<51200x1024xf32, #tpu.memory_space<hbm>> -> memref<8x1024xf32, #tpu.memory_space<hbm>>
    %dma_start3A_100 = arith.constant 0 : i32
    %dma_start3A_101 = tpu.memref_slice %arg4[%add3A_97, %dma_start3A_100] : memref<51200x1024xf32, #tpu.memory_space<hbm>> -> memref<8x1024xf32, #tpu.memory_space<hbm>>
    tpu.enqueue_dma source(%arg7 : memref<8x1024xf32, #tpu.memory_space<vmem>>) target(%dma_start3A_101 : memref<8x1024xf32, #tpu.memory_space<hbm>>) target_semaphore(%arg27 : memref<!tpu.dma_semaphore, #tpu.memory_space<semaphore_mem>>)
    %dma_wait3A_102 = arith.constant 192 : i32
    %dma_wait3A_103 = arith.constant 0 : i32
    %dma_wait3A_104 = tpu.memref_slice %arg5[%dma_wait3A_102, %dma_wait3A_103] : memref<200x8xi32, #tpu.memory_space<vmem>> -> memref<1x8xi32, #tpu.memory_space<vmem>>
    %dma_wait3A_105 = tpu.memref_squeeze %dma_wait3A_104 : memref<1x8xi32, #tpu.memory_space<vmem>> -> memref<8xi32, #tpu.memory_space<vmem>>
    %dma_wait3A_106 = arith.constant 0 : i32
    %dma_wait3A_107 = arith.constant 0 : i32
    %dma_wait3A_108 = tpu.memref_slice %arg2[%dma_wait3A_106, %dma_wait3A_107] : memref<100001x1024xf32, #tpu.memory_space<hbm>> -> memref<100001x1024xf32, #tpu.memory_space<hbm>>
    tpu.wait_indirect_dma semaphore(%arg18 : memref<!tpu.dma_semaphore, #tpu.memory_space<semaphore_mem>>) src(%dma_wait3A_108 : memref<100001x1024xf32, #tpu.memory_space<hbm>>) dst(%arg8 : memref<8x1024xf32, #tpu.memory_space<vmem>>)
    %add3A_109 = arith.constant 1536 : i32
    %add3A_110 = arith.addi %mul3A_2, %add3A_109 : i32
    %dma_start3A_111 = arith.constant 0 : i32
    %dma_start3A_112 = tpu.memref_slice %arg4[%add3A_110, %dma_start3A_111] : memref<51200x1024xf32, #tpu.memory_space<hbm>> -> memref<8x1024xf32, #tpu.memory_space<hbm>>
    %dma_start3A_113 = arith.constant 0 : i32
    %dma_start3A_114 = tpu.memref_slice %arg4[%add3A_110, %dma_start3A_113] : memref<51200x1024xf32, #tpu.memory_space<hbm>> -> memref<8x1024xf32, #tpu.memory_space<hbm>>
    tpu.enqueue_dma source(%arg8 : memref<8x1024xf32, #tpu.memory_space<vmem>>) target(%dma_start3A_114 : memref<8x1024xf32, #tpu.memory_space<hbm>>) target_semaphore(%arg28 : memref<!tpu.dma_semaphore, #tpu.memory_space<semaphore_mem>>)
    %dma_wait3A_115 = arith.constant 193 : i32
    %dma_wait3A_116 = arith.constant 0 : i32
    %dma_wait3A_117 = tpu.memref_slice %arg5[%dma_wait3A_115, %dma_wait3A_116] : memref<200x8xi32, #tpu.memory_space<vmem>> -> memref<1x8xi32, #tpu.memory_space<vmem>>
    %dma_wait3A_118 = tpu.memref_squeeze %dma_wait3A_117 : memref<1x8xi32, #tpu.memory_space<vmem>> -> memref<8xi32, #tpu.memory_space<vmem>>
    %dma_wait3A_119 = arith.constant 0 : i32
    %dma_wait3A_120 = arith.constant 0 : i32
    %dma_wait3A_121 = tpu.memref_slice %arg2[%dma_wait3A_119, %dma_wait3A_120] : memref<100001x1024xf32, #tpu.memory_space<hbm>> -> memref<100001x1024xf32, #tpu.memory_space<hbm>>
    tpu.wait_indirect_dma semaphore(%arg19 : memref<!tpu.dma_semaphore, #tpu.memory_space<semaphore_mem>>) src(%dma_wait3A_121 : memref<100001x1024xf32, #tpu.memory_space<hbm>>) dst(%arg9 : memref<8x1024xf32, #tpu.memory_space<vmem>>)
    %add3A_122 = arith.constant 1544 : i32
    %add3A_123 = arith.addi %mul3A_2, %add3A_122 : i32
    %dma_start3A_124 = arith.constant 0 : i32
    %dma_start3A_125 = tpu.memref_slice %arg4[%add3A_123, %dma_start3A_124] : memref<51200x1024xf32, #tpu.memory_space<hbm>> -> memref<8x1024xf32, #tpu.memory_space<hbm>>
    %dma_start3A_126 = arith.constant 0 : i32
    %dma_start3A_127 = tpu.memref_slice %arg4[%add3A_123, %dma_start3A_126] : memref<51200x1024xf32, #tpu.memory_space<hbm>> -> memref<8x1024xf32, #tpu.memory_space<hbm>>
    tpu.enqueue_dma source(%arg9 : memref<8x1024xf32, #tpu.memory_space<vmem>>) target(%dma_start3A_127 : memref<8x1024xf32, #tpu.memory_space<hbm>>) target_semaphore(%arg29 : memref<!tpu.dma_semaphore, #tpu.memory_space<semaphore_mem>>)
    %dma_wait3A_128 = arith.constant 194 : i32
    %dma_wait3A_129 = arith.constant 0 : i32
    %dma_wait3A_130 = tpu.memref_slice %arg5[%dma_wait3A_128, %dma_wait3A_129] : memref<200x8xi32, #tpu.memory_space<vmem>> -> memref<1x8xi32, #tpu.memory_space<vmem>>
    %dma_wait3A_131 = tpu.memref_squeeze %dma_wait3A_130 : memref<1x8xi32, #tpu.memory_space<vmem>> -> memref<8xi32, #tpu.memory_space<vmem>>
    %dma_wait3A_132 = arith.constant 0 : i32
    %dma_wait3A_133 = arith.constant 0 : i32
    %dma_wait3A_134 = tpu.memref_slice %arg2[%dma_wait3A_132, %dma_wait3A_133] : memref<100001x1024xf32, #tpu.memory_space<hbm>> -> memref<100001x1024xf32, #tpu.memory_space<hbm>>
    tpu.wait_indirect_dma semaphore(%arg20 : memref<!tpu.dma_semaphore, #tpu.memory_space<semaphore_mem>>) src(%dma_wait3A_134 : memref<100001x1024xf32, #tpu.memory_space<hbm>>) dst(%arg10 : memref<8x1024xf32, #tpu.memory_space<vmem>>)
    %add3A_135 = arith.constant 1552 : i32
    %add3A_136 = arith.addi %mul3A_2, %add3A_135 : i32
    %dma_start3A_137 = arith.constant 0 : i32
    %dma_start3A_138 = tpu.memref_slice %arg4[%add3A_136, %dma_start3A_137] : memref<51200x1024xf32, #tpu.memory_space<hbm>> -> memref<8x1024xf32, #tpu.memory_space<hbm>>
    %dma_start3A_139 = arith.constant 0 : i32
    %dma_start3A_140 = tpu.memref_slice %arg4[%add3A_136, %dma_start3A_139] : memref<51200x1024xf32, #tpu.memory_space<hbm>> -> memref<8x1024xf32, #tpu.memory_space<hbm>>
    tpu.enqueue_dma source(%arg10 : memref<8x1024xf32, #tpu.memory_space<vmem>>) target(%dma_start3A_140 : memref<8x1024xf32, #tpu.memory_space<hbm>>) target_semaphore(%arg30 : memref<!tpu.dma_semaphore, #tpu.memory_space<semaphore_mem>>)
    %dma_wait3A_141 = arith.constant 195 : i32
    %dma_wait3A_142 = arith.constant 0 : i32
    %dma_wait3A_143 = tpu.memref_slice %arg5[%dma_wait3A_141, %dma_wait3A_142] : memref<200x8xi32, #tpu.memory_space<vmem>> -> memref<1x8xi32, #tpu.memory_space<vmem>>
    %dma_wait3A_144 = tpu.memref_squeeze %dma_wait3A_143 : memref<1x8xi32, #tpu.memory_space<vmem>> -> memref<8xi32, #tpu.memory_space<vmem>>
    %dma_wait3A_145 = arith.constant 0 : i32
    %dma_wait3A_146 = arith.constant 0 : i32
    %dma_wait3A_147 = tpu.memref_slice %arg2[%dma_wait3A_145, %dma_wait3A_146] : memref<100001x1024xf32, #tpu.memory_space<hbm>> -> memref<100001x1024xf32, #tpu.memory_space<hbm>>
    tpu.wait_indirect_dma semaphore(%arg21 : memref<!tpu.dma_semaphore, #tpu.memory_space<semaphore_mem>>) src(%dma_wait3A_147 : memref<100001x1024xf32, #tpu.memory_space<hbm>>) dst(%arg11 : memref<8x1024xf32, #tpu.memory_space<vmem>>)
    %add3A_148 = arith.constant 1560 : i32
    %add3A_149 = arith.addi %mul3A_2, %add3A_148 : i32
    %dma_start3A_150 = arith.constant 0 : i32
    %dma_start3A_151 = tpu.memref_slice %arg4[%add3A_149, %dma_start3A_150] : memref<51200x1024xf32, #tpu.memory_space<hbm>> -> memref<8x1024xf32, #tpu.memory_space<hbm>>
    %dma_start3A_152 = arith.constant 0 : i32
    %dma_start3A_153 = tpu.memref_slice %arg4[%add3A_149, %dma_start3A_152] : memref<51200x1024xf32, #tpu.memory_space<hbm>> -> memref<8x1024xf32, #tpu.memory_space<hbm>>
    tpu.enqueue_dma source(%arg11 : memref<8x1024xf32, #tpu.memory_space<vmem>>) target(%dma_start3A_153 : memref<8x1024xf32, #tpu.memory_space<hbm>>) target_semaphore(%arg31 : memref<!tpu.dma_semaphore, #tpu.memory_space<semaphore_mem>>)
    %dma_wait3A_154 = arith.constant 196 : i32
    %dma_wait3A_155 = arith.constant 0 : i32
    %dma_wait3A_156 = tpu.memref_slice %arg5[%dma_wait3A_154, %dma_wait3A_155] : memref<200x8xi32, #tpu.memory_space<vmem>> -> memref<1x8xi32, #tpu.memory_space<vmem>>
    %dma_wait3A_157 = tpu.memref_squeeze %dma_wait3A_156 : memref<1x8xi32, #tpu.memory_space<vmem>> -> memref<8xi32, #tpu.memory_space<vmem>>
    %dma_wait3A_158 = arith.constant 0 : i32
    %dma_wait3A_159 = arith.constant 0 : i32
    %dma_wait3A_160 = tpu.memref_slice %arg2[%dma_wait3A_158, %dma_wait3A_159] : memref<100001x1024xf32, #tpu.memory_space<hbm>> -> memref<100001x1024xf32, #tpu.memory_space<hbm>>
    tpu.wait_indirect_dma semaphore(%arg22 : memref<!tpu.dma_semaphore, #tpu.memory_space<semaphore_mem>>) src(%dma_wait3A_160 : memref<100001x1024xf32, #tpu.memory_space<hbm>>) dst(%arg12 : memref<8x1024xf32, #tpu.memory_space<vmem>>)
    %add3A_161 = arith.constant 1568 : i32
    %add3A_162 = arith.addi %mul3A_2, %add3A_161 : i32
    %dma_start3A_163 = arith.constant 0 : i32
    %dma_start3A_164 = tpu.memref_slice %arg4[%add3A_162, %dma_start3A_163] : memref<51200x1024xf32, #tpu.memory_space<hbm>> -> memref<8x1024xf32, #tpu.memory_space<hbm>>
    %dma_start3A_165 = arith.constant 0 : i32
    %dma_start3A_166 = tpu.memref_slice %arg4[%add3A_162, %dma_start3A_165] : memref<51200x1024xf32, #tpu.memory_space<hbm>> -> memref<8x1024xf32, #tpu.memory_space<hbm>>
    tpu.enqueue_dma source(%arg12 : memref<8x1024xf32, #tpu.memory_space<vmem>>) target(%dma_start3A_166 : memref<8x1024xf32, #tpu.memory_space<hbm>>) target_semaphore(%arg32 : memref<!tpu.dma_semaphore, #tpu.memory_space<semaphore_mem>>)
    %dma_wait3A_167 = arith.constant 197 : i32
    %dma_wait3A_168 = arith.constant 0 : i32
    %dma_wait3A_169 = tpu.memref_slice %arg5[%dma_wait3A_167, %dma_wait3A_168] : memref<200x8xi32, #tpu.memory_space<vmem>> -> memref<1x8xi32, #tpu.memory_space<vmem>>
    %dma_wait3A_170 = tpu.memref_squeeze %dma_wait3A_169 : memref<1x8xi32, #tpu.memory_space<vmem>> -> memref<8xi32, #tpu.memory_space<vmem>>
    %dma_wait3A_171 = arith.constant 0 : i32
    %dma_wait3A_172 = arith.constant 0 : i32
    %dma_wait3A_173 = tpu.memref_slice %arg2[%dma_wait3A_171, %dma_wait3A_172] : memref<100001x1024xf32, #tpu.memory_space<hbm>> -> memref<100001x1024xf32, #tpu.memory_space<hbm>>
    tpu.wait_indirect_dma semaphore(%arg23 : memref<!tpu.dma_semaphore, #tpu.memory_space<semaphore_mem>>) src(%dma_wait3A_173 : memref<100001x1024xf32, #tpu.memory_space<hbm>>) dst(%arg13 : memref<8x1024xf32, #tpu.memory_space<vmem>>)
    %add3A_174 = arith.constant 1576 : i32
    %add3A_175 = arith.addi %mul3A_2, %add3A_174 : i32
    %dma_start3A_176 = arith.constant 0 : i32
    %dma_start3A_177 = tpu.memref_slice %arg4[%add3A_175, %dma_start3A_176] : memref<51200x1024xf32, #tpu.memory_space<hbm>> -> memref<8x1024xf32, #tpu.memory_space<hbm>>
    %dma_start3A_178 = arith.constant 0 : i32
    %dma_start3A_179 = tpu.memref_slice %arg4[%add3A_175, %dma_start3A_178] : memref<51200x1024xf32, #tpu.memory_space<hbm>> -> memref<8x1024xf32, #tpu.memory_space<hbm>>
    tpu.enqueue_dma source(%arg13 : memref<8x1024xf32, #tpu.memory_space<vmem>>) target(%dma_start3A_179 : memref<8x1024xf32, #tpu.memory_space<hbm>>) target_semaphore(%arg33 : memref<!tpu.dma_semaphore, #tpu.memory_space<semaphore_mem>>)
    %dma_wait3A_180 = arith.constant 198 : i32
    %dma_wait3A_181 = arith.constant 0 : i32
    %dma_wait3A_182 = tpu.memref_slice %arg5[%dma_wait3A_180, %dma_wait3A_181] : memref<200x8xi32, #tpu.memory_space<vmem>> -> memref<1x8xi32, #tpu.memory_space<vmem>>
    %dma_wait3A_183 = tpu.memref_squeeze %dma_wait3A_182 : memref<1x8xi32, #tpu.memory_space<vmem>> -> memref<8xi32, #tpu.memory_space<vmem>>
    %dma_wait3A_184 = arith.constant 0 : i32
    %dma_wait3A_185 = arith.constant 0 : i32
    %dma_wait3A_186 = tpu.memref_slice %arg2[%dma_wait3A_184, %dma_wait3A_185] : memref<100001x1024xf32, #tpu.memory_space<hbm>> -> memref<100001x1024xf32, #tpu.memory_space<hbm>>
    tpu.wait_indirect_dma semaphore(%arg24 : memref<!tpu.dma_semaphore, #tpu.memory_space<semaphore_mem>>) src(%dma_wait3A_186 : memref<100001x1024xf32, #tpu.memory_space<hbm>>) dst(%arg14 : memref<8x1024xf32, #tpu.memory_space<vmem>>)
    %add3A_187 = arith.constant 1584 : i32
    %add3A_188 = arith.addi %mul3A_2, %add3A_187 : i32
    %dma_start3A_189 = arith.constant 0 : i32
    %dma_start3A_190 = tpu.memref_slice %arg4[%add3A_188, %dma_start3A_189] : memref<51200x1024xf32, #tpu.memory_space<hbm>> -> memref<8x1024xf32, #tpu.memory_space<hbm>>
    %dma_start3A_191 = arith.constant 0 : i32
    %dma_start3A_192 = tpu.memref_slice %arg4[%add3A_188, %dma_start3A_191] : memref<51200x1024xf32, #tpu.memory_space<hbm>> -> memref<8x1024xf32, #tpu.memory_space<hbm>>
    tpu.enqueue_dma source(%arg14 : memref<8x1024xf32, #tpu.memory_space<vmem>>) target(%dma_start3A_192 : memref<8x1024xf32, #tpu.memory_space<hbm>>) target_semaphore(%arg34 : memref<!tpu.dma_semaphore, #tpu.memory_space<semaphore_mem>>)
    %dma_wait3A_193 = arith.constant 199 : i32
    %dma_wait3A_194 = arith.constant 0 : i32
    %dma_wait3A_195 = tpu.memref_slice %arg5[%dma_wait3A_193, %dma_wait3A_194] : memref<200x8xi32, #tpu.memory_space<vmem>> -> memref<1x8xi32, #tpu.memory_space<vmem>>
    %dma_wait3A_196 = tpu.memref_squeeze %dma_wait3A_195 : memref<1x8xi32, #tpu.memory_space<vmem>> -> memref<8xi32, #tpu.memory_space<vmem>>
    %dma_wait3A_197 = arith.constant 0 : i32
    %dma_wait3A_198 = arith.constant 0 : i32
    %dma_wait3A_199 = tpu.memref_slice %arg2[%dma_wait3A_197, %dma_wait3A_198] : memref<100001x1024xf32, #tpu.memory_space<hbm>> -> memref<100001x1024xf32, #tpu.memory_space<hbm>>
    tpu.wait_indirect_dma semaphore(%arg25 : memref<!tpu.dma_semaphore, #tpu.memory_space<semaphore_mem>>) src(%dma_wait3A_199 : memref<100001x1024xf32, #tpu.memory_space<hbm>>) dst(%arg15 : memref<8x1024xf32, #tpu.memory_space<vmem>>)
    %add3A_200 = arith.constant 1592 : i32
    %add3A_201 = arith.addi %mul3A_2, %add3A_200 : i32
    %dma_start3A_202 = arith.constant 0 : i32
    %dma_start3A_203 = tpu.memref_slice %arg4[%add3A_201, %dma_start3A_202] : memref<51200x1024xf32, #tpu.memory_space<hbm>> -> memref<8x1024xf32, #tpu.memory_space<hbm>>
    %dma_start3A_204 = arith.constant 0 : i32
    %dma_start3A_205 = tpu.memref_slice %arg4[%add3A_201, %dma_start3A_204] : memref<51200x1024xf32, #tpu.memory_space<hbm>> -> memref<8x1024xf32, #tpu.memory_space<hbm>>
    tpu.enqueue_dma source(%arg15 : memref<8x1024xf32, #tpu.memory_space<vmem>>) target(%dma_start3A_205 : memref<8x1024xf32, #tpu.memory_space<hbm>>) target_semaphore(%arg35 : memref<!tpu.dma_semaphore, #tpu.memory_space<semaphore_mem>>)
    %add3A_206 = arith.constant 1520 : i32
    %add3A_207 = arith.addi %mul3A_2, %add3A_206 : i32
    %dma_wait3A_208 = arith.constant 0 : i32
    %dma_wait3A_209 = tpu.memref_slice %arg4[%add3A_207, %dma_wait3A_208] : memref<51200x1024xf32, #tpu.memory_space<hbm>> -> memref<8x1024xf32, #tpu.memory_space<hbm>>
    %dma_wait3A_210 = arith.constant 0 : i32
    %dma_wait3A_211 = tpu.memref_slice %arg4[%add3A_207, %dma_wait3A_210] : memref<51200x1024xf32, #tpu.memory_space<hbm>> -> memref<8x1024xf32, #tpu.memory_space<hbm>>
    tpu.wait_dma2 semaphore(%arg26 : memref<!tpu.dma_semaphore, #tpu.memory_space<semaphore_mem>>) src(%arg6 : memref<8x1024xf32, #tpu.memory_space<vmem>>) dst(%dma_wait3A_211 : memref<8x1024xf32, #tpu.memory_space<hbm>>)
    %add3A_212 = arith.constant 1528 : i32
    %add3A_213 = arith.addi %mul3A_2, %add3A_212 : i32
    %dma_wait3A_214 = arith.constant 0 : i32
    %dma_wait3A_215 = tpu.memref_slice %arg4[%add3A_213, %dma_wait3A_214] : memref<51200x1024xf32, #tpu.memory_space<hbm>> -> memref<8x1024xf32, #tpu.memory_space<hbm>>
    %dma_wait3A_216 = arith.constant 0 : i32
    %dma_wait3A_217 = tpu.memref_slice %arg4[%add3A_213, %dma_wait3A_216] : memref<51200x1024xf32, #tpu.memory_space<hbm>> -> memref<8x1024xf32, #tpu.memory_space<hbm>>
    tpu.wait_dma2 semaphore(%arg27 : memref<!tpu.dma_semaphore, #tpu.memory_space<semaphore_mem>>) src(%arg7 : memref<8x1024xf32, #tpu.memory_space<vmem>>) dst(%dma_wait3A_217 : memref<8x1024xf32, #tpu.memory_space<hbm>>)
    %add3A_218 = arith.constant 1536 : i32
    %add3A_219 = arith.addi %mul3A_2, %add3A_218 : i32
    %dma_wait3A_220 = arith.constant 0 : i32
    %dma_wait3A_221 = tpu.memref_slice %arg4[%add3A_219, %dma_wait3A_220] : memref<51200x1024xf32, #tpu.memory_space<hbm>> -> memref<8x1024xf32, #tpu.memory_space<hbm>>
    %dma_wait3A_222 = arith.constant 0 : i32
    %dma_wait3A_223 = tpu.memref_slice %arg4[%add3A_219, %dma_wait3A_222] : memref<51200x1024xf32, #tpu.memory_space<hbm>> -> memref<8x1024xf32, #tpu.memory_space<hbm>>
    tpu.wait_dma2 semaphore(%arg28 : memref<!tpu.dma_semaphore, #tpu.memory_space<semaphore_mem>>) src(%arg8 : memref<8x1024xf32, #tpu.memory_space<vmem>>) dst(%dma_wait3A_223 : memref<8x1024xf32, #tpu.memory_space<hbm>>)
    %add3A_224 = arith.constant 1544 : i32
    %add3A_225 = arith.addi %mul3A_2, %add3A_224 : i32
    %dma_wait3A_226 = arith.constant 0 : i32
    %dma_wait3A_227 = tpu.memref_slice %arg4[%add3A_225, %dma_wait3A_226] : memref<51200x1024xf32, #tpu.memory_space<hbm>> -> memref<8x1024xf32, #tpu.memory_space<hbm>>
    %dma_wait3A_228 = arith.constant 0 : i32
    %dma_wait3A_229 = tpu.memref_slice %arg4[%add3A_225, %dma_wait3A_228] : memref<51200x1024xf32, #tpu.memory_space<hbm>> -> memref<8x1024xf32, #tpu.memory_space<hbm>>
    tpu.wait_dma2 semaphore(%arg29 : memref<!tpu.dma_semaphore, #tpu.memory_space<semaphore_mem>>) src(%arg9 : memref<8x1024xf32, #tpu.memory_space<vmem>>) dst(%dma_wait3A_229 : memref<8x1024xf32, #tpu.memory_space<hbm>>)
    %add3A_230 = arith.constant 1552 : i32
    %add3A_231 = arith.addi %mul3A_2, %add3A_230 : i32
    %dma_wait3A_232 = arith.constant 0 : i32
    %dma_wait3A_233 = tpu.memref_slice %arg4[%add3A_231, %dma_wait3A_232] : memref<51200x1024xf32, #tpu.memory_space<hbm>> -> memref<8x1024xf32, #tpu.memory_space<hbm>>
    %dma_wait3A_234 = arith.constant 0 : i32
    %dma_wait3A_235 = tpu.memref_slice %arg4[%add3A_231, %dma_wait3A_234] : memref<51200x1024xf32, #tpu.memory_space<hbm>> -> memref<8x1024xf32, #tpu.memory_space<hbm>>
    tpu.wait_dma2 semaphore(%arg30 : memref<!tpu.dma_semaphore, #tpu.memory_space<semaphore_mem>>) src(%arg10 : memref<8x1024xf32, #tpu.memory_space<vmem>>) dst(%dma_wait3A_235 : memref<8x1024xf32, #tpu.memory_space<hbm>>)
    %add3A_236 = arith.constant 1560 : i32
    %add3A_237 = arith.addi %mul3A_2, %add3A_236 : i32
    %dma_wait3A_238 = arith.constant 0 : i32
    %dma_wait3A_239 = tpu.memref_slice %arg4[%add3A_237, %dma_wait3A_238] : memref<51200x1024xf32, #tpu.memory_space<hbm>> -> memref<8x1024xf32, #tpu.memory_space<hbm>>
    %dma_wait3A_240 = arith.constant 0 : i32
    %dma_wait3A_241 = tpu.memref_slice %arg4[%add3A_237, %dma_wait3A_240] : memref<51200x1024xf32, #tpu.memory_space<hbm>> -> memref<8x1024xf32, #tpu.memory_space<hbm>>
    tpu.wait_dma2 semaphore(%arg31 : memref<!tpu.dma_semaphore, #tpu.memory_space<semaphore_mem>>) src(%arg11 : memref<8x1024xf32, #tpu.memory_space<vmem>>) dst(%dma_wait3A_241 : memref<8x1024xf32, #tpu.memory_space<hbm>>)
    %add3A_242 = arith.constant 1568 : i32
    %add3A_243 = arith.addi %mul3A_2, %add3A_242 : i32
    %dma_wait3A_244 = arith.constant 0 : i32
    %dma_wait3A_245 = tpu.memref_slice %arg4[%add3A_243, %dma_wait3A_244] : memref<51200x1024xf32, #tpu.memory_space<hbm>> -> memref<8x1024xf32, #tpu.memory_space<hbm>>
    %dma_wait3A_246 = arith.constant 0 : i32
    %dma_wait3A_247 = tpu.memref_slice %arg4[%add3A_243, %dma_wait3A_246] : memref<51200x1024xf32, #tpu.memory_space<hbm>> -> memref<8x1024xf32, #tpu.memory_space<hbm>>
    tpu.wait_dma2 semaphore(%arg32 : memref<!tpu.dma_semaphore, #tpu.memory_space<semaphore_mem>>) src(%arg12 : memref<8x1024xf32, #tpu.memory_space<vmem>>) dst(%dma_wait3A_247 : memref<8x1024xf32, #tpu.memory_space<hbm>>)
    %add3A_248 = arith.constant 1576 : i32
    %add3A_249 = arith.addi %mul3A_2, %add3A_248 : i32
    %dma_wait3A_250 = arith.constant 0 : i32
    %dma_wait3A_251 = tpu.memref_slice %arg4[%add3A_249, %dma_wait3A_250] : memref<51200x1024xf32, #tpu.memory_space<hbm>> -> memref<8x1024xf32, #tpu.memory_space<hbm>>
    %dma_wait3A_252 = arith.constant 0 : i32
    %dma_wait3A_253 = tpu.memref_slice %arg4[%add3A_249, %dma_wait3A_252] : memref<51200x1024xf32, #tpu.memory_space<hbm>> -> memref<8x1024xf32, #tpu.memory_space<hbm>>
    tpu.wait_dma2 semaphore(%arg33 : memref<!tpu.dma_semaphore, #tpu.memory_space<semaphore_mem>>) src(%arg13 : memref<8x1024xf32, #tpu.memory_space<vmem>>) dst(%dma_wait3A_253 : memref<8x1024xf32, #tpu.memory_space<hbm>>)
    %add3A_254 = arith.constant 1584 : i32
    %add3A_255 = arith.addi %mul3A_2, %add3A_254 : i32
    %dma_wait3A_256 = arith.constant 0 : i32
    %dma_wait3A_257 = tpu.memref_slice %arg4[%add3A_255, %dma_wait3A_256] : memref<51200x1024xf32, #tpu.memory_space<hbm>> -> memref<8x1024xf32, #tpu.memory_space<hbm>>
    %dma_wait3A_258 = arith.constant 0 : i32
    %dma_wait3A_259 = tpu.memref_slice %arg4[%add3A_255, %dma_wait3A_258] : memref<51200x1024xf32, #tpu.memory_space<hbm>> -> memref<8x1024xf32, #tpu.memory_space<hbm>>
    tpu.wait_dma2 semaphore(%arg34 : memref<!tpu.dma_semaphore, #tpu.memory_space<semaphore_mem>>) src(%arg14 : memref<8x1024xf32, #tpu.memory_space<vmem>>) dst(%dma_wait3A_259 : memref<8x1024xf32, #tpu.memory_space<hbm>>)
    %add3A_260 = arith.constant 1592 : i32
    %add3A_261 = arith.addi %mul3A_2, %add3A_260 : i32
    %dma_wait3A_262 = arith.constant 0 : i32
    %dma_wait3A_263 = tpu.memref_slice %arg4[%add3A_261, %dma_wait3A_262] : memref<51200x1024xf32, #tpu.memory_space<hbm>> -> memref<8x1024xf32, #tpu.memory_space<hbm>>
    %dma_wait3A_264 = arith.constant 0 : i32
    %dma_wait3A_265 = tpu.memref_slice %arg4[%add3A_261, %dma_wait3A_264] : memref<51200x1024xf32, #tpu.memory_space<hbm>> -> memref<8x1024xf32, #tpu.memory_space<hbm>>
    tpu.wait_dma2 semaphore(%arg35 : memref<!tpu.dma_semaphore, #tpu.memory_space<semaphore_mem>>) src(%arg15 : memref<8x1024xf32, #tpu.memory_space<vmem>>) dst(%dma_wait3A_265 : memref<8x1024xf32, #tpu.memory_space<hbm>>)
    return
  }
}

</mosaic_0001>

<sc_bundles>
// kernel: kernel.3.cloned.1.call-start
scs
__scs_entry_jumppad:
0x0: {  	(pc) =	sbr.rel $0x88, $3  }
0x1: {  	(tag) =	ssettag $0x0;
	lr =	simm.s32 $0x1  }
0x2: {  	[smem:$0x3F9F] =	sst lr;
	_ =	strace $0xD0000000  }
0x3: {  	_ = 	snop  }
0x4: {  	_ = 	snop  }
0x5: {  	_ = 	snop  }
0x6: {  	_ = 	snop  }
0x7: {  	_ = 	snop  }
__scs_overlays_trampoline_lowered:
0x8: {  	[smem:$0x3FAE] =	sst s0  }
0x9: {  	[smem:$0x3FAF] =	sst s1  }
0xa: {  	[smem:$0x3FB0] =	sst s2  }
0xb: {  	[smem:$0x3FB1] =	sst s3  }
0xc: {  	[smem:$0x3FB2] =	sst s4  }
0xd: {  	[smem:$0x3FB3] =	sst s5  }
0xe: {  	[smem:$0x3FB4] =	sst s6  }
0xf: {  	[smem:$0x3FB5] =	sst s7  }
0x10: {  	[smem:$0x3FB6] =	sst s8  }
0x11: {  	[smem:$0x3FB7] =	sst s9;
	s0 =	simm.s32 @!p0 $0x0  }
0x12: {  	s1 =	sld [smem:$0x3F9D];
	s0 =	simm.s32 @p0 $0x1  }
0x13: {  	[smem:$0x3FB8] =	sst s0;
	s0 =	simm.s32 @!p1 $0x0  }
0x14: {  	s2 =	sld [smem:$0x3F9C];
	s0 =	simm.s32 @p1 $0x1  }
0x15: {  	[smem:$0x3FB9] =	sst s0;
	s0 =	simm.s32 @!p2 $0x0  }
0x16: {  	s3 =	sld [smem:$0x3FDB];
	s0 =	simm.s32 @p2 $0x1  }
0x17: {  	s4 =	simm.s32 $0x1BF5;
	[smem:$0x3FBB] =	sst s0  }
0x18: {  	s0 =	sld [smem:$0x3F9E];
	_ =	swait.ge [sflag:s4], $0x0  }
0x19: {  	s7 =	sld [smem:$0x3F9F]  }
0x1a: {  	s8 =	sadd.s32 $0xFFFFE003, lr  }
0x1b: {  	s9 =	sadd.s32 $0xFFFFFEF7, lr;
	s5 =	simm.s32 $0xFFFFFFFF;
	p2 =	slt.u32 s8, $0xFFFFF086  }
0x1c: {  	p1 =	slt.u32 s9, $0xF7A;
	s5 =	simm.s32 @!p2 $0x0  }
0x1d: {  	s5 =	simm.s32 @p1 $0x1;
	p0 =	seq.s32 s7, s2  }
0x1e: {  	s7 =	smul.u32 @!p0 $0xF7A, s2;
	p2 =	seq.s32 @!p0 s5, $0x0  }
0x1f: {  	s9 =	smul.u32 $0xF7A, s1;
	s8 =	simm.s32 @!p0 $0x1BF5;
	p2 =	por !p2, p0  }
0x20: {  	[sflag:s8] =	ssyncset.s32 @!p0 $0xFFFFF086;
	s6 =	sadd.s32 @!p0 s3, s7;
	s7 =	simm.s32 @!p0 $0x108  }
0x21: {  	s3 =	sadd.s32 s3, s9;
	s6 =	sadd.s32 @!p0 $0x88, s6;
	s7 =	simm.s32 @p2 $0x1082  }
0x22: {  	[simem:s7], [sflag:s8] =	dma.local @!p0 [hbm:s6], $0xF7A  }
0x23: {  	s9 =	sor.u32 $0xD0000000, s2;
	s6 =	simm.s32 $0x108;
	_ =	swait.ge @!p0 [sflag:s8], $0x0  }
0x24: {  	s3 =	sadd.s32 $0x88, s3;
	s6 =	simm.s32 @!p1 $0x1082;
	[sflag:s4] =	ssyncset.s32 $0xFFFFF086  }
0x25: {  	[simem:s6], [sflag:s4] =	dma.local [hbm:s3], $0xF7A  }
0x26: {  	[smem:$0x3F9F] =	sst s1;
	(tag) =	ssettag s2;
	_ =	strace s9  }
0x27: {  	s1 =	sld [smem:$0x3FAF]  }
0x28: {  	s2 =	sld [smem:$0x3FB0]  }
0x29: {  	s4 =	sld [smem:$0x3FB2]  }
0x2a: {  	p0 =	seq.s32 s5, $0x0;
	s5 =	sld [smem:$0x3FB3]  }
0x2b: {  	s6 =	sld [smem:$0x3FB4]  }
0x2c: {  	s7 =	sld [smem:$0x3FB5]  }
0x2d: {  	s3 =	simm.s32 $0x108;
	s8 =	sld [smem:$0x3FB6]  }
0x2e: {  	s3 =	simm.s32 @!p0 $0x1082;
	s9 =	sld [smem:$0x3FB7]  }
0x2f: {  	lr =	sadd.s32 s0, s3;
	s0 =	sld [smem:$0x3FAE]  }
0x30: {  	s3 =	sld [smem:$0x3FB1]  }
0x31: {  	[smem:$0x3FBA] =	sst s10  }
0x32: {  	s10 =	sld [smem:$0x3FB8];
	_ =	sdelay $0x3  }
0x33: {  	p0 =	seq.s32 s10, $0x1;
	s10 =	sld [smem:$0x3FBA];
	_ =	sdelay $0x3  }
0x34: {  	[smem:$0x3FBA] =	sst s10  }
0x35: {  	s10 =	sld [smem:$0x3FB9];
	_ =	sdelay $0x3  }
0x36: {  	p1 =	seq.s32 s10, $0x1;
	s10 =	sld [smem:$0x3FBA];
	_ =	sdelay $0x3  }
0x37: {  	[smem:$0x3FBA] =	sst s10  }
0x38: {  	s10 =	sld [smem:$0x3FBB]  }
0x39: {  	_ = 	snop;
	(pc) =	sbr.ind lr, $3  }
0x3a: {  	_ = 	snop  }
0x3b: {  	_ = 	snop  }
0x3c: {  	p2 =	seq.s32 s10, $0x1;
	s10 =	sld [smem:$0x3FBA]  }
0x3d: {  	_ =	shalt  }
0x3e: {  	_ =	shalt  }
0x3f: {  	_ =	shalt  }
0x40: {  	_ =	shalt  }
0x41: {  	_ =	shalt  }
0x42: {  	_ =	shalt  }
0x43: {  	_ =	shalt  }
0x44: {  	_ =	shalt  }
0x45: {  	_ =	shalt  }
0x46: {  	_ =	shalt  }
0x47: {  	_ =	shalt  }
0x48: {  	_ =	shalt  }
0x49: {  	_ =	shalt  }
0x4a: {  	_ =	shalt  }
0x4b: {  	_ =	shalt  }
0x4c: {  	_ =	shalt  }
0x4d: {  	_ =	shalt  }
0x4e: {  	_ =	shalt  }
0x4f: {  	_ =	shalt  }
0x50: {  	_ =	shalt  }
0x51: {  	_ =	shalt  }
0x52: {  	_ =	shalt  }
0x53: {  	_ =	shalt  }
0x54: {  	_ =	shalt  }
0x55: {  	_ =	shalt  }
0x56: {  	_ =	shalt  }
0x57: {  	_ =	shalt  }
0x58: {  	_ =	shalt  }
0x59: {  	_ =	shalt  }
0x5a: {  	_ =	shalt  }
0x5b: {  	_ =	shalt  }
0x5c: {  	_ =	shalt  }
0x5d: {  	_ =	shalt  }
0x5e: {  	_ =	shalt  }
0x5f: {  	_ =	shalt  }
0x60: {  	_ =	shalt  }
0x61: {  	_ =	shalt  }
0x62: {  	_ =	shalt  }
0x63: {  	_ =	shalt  }
0x64: {  	_ =	shalt  }
0x65: {  	_ =	shalt  }
0x66: {  	_ =	shalt  }
0x67: {  	_ =	shalt  }
0x68: {  	_ =	shalt  }
0x69: {  	_ =	shalt  }
0x6a: {  	_ =	shalt  }
0x6b: {  	_ =	shalt  }
0x6c: {  	_ =	shalt  }
0x6d: {  	_ =	shalt  }
0x6e: {  	_ =	shalt  }
0x6f: {  	_ =	shalt  }
0x70: {  	_ =	shalt  }
0x71: {  	_ =	shalt  }
0x72: {  	_ =	shalt  }
0x73: {  	_ =	shalt  }
0x74: {  	_ =	shalt  }
0x75: {  	_ =	shalt  }
0x76: {  	_ =	shalt  }
0x77: {  	_ =	shalt  }
0x78: {  	_ =	shalt  }
0x79: {  	_ =	shalt  }
0x7a: {  	_ =	shalt  }
0x7b: {  	_ =	shalt  }
0x7c: {  	_ =	shalt  }
0x7d: {  	_ =	shalt  }
0x7e: {  	_ =	shalt  }
0x7f: {  	_ =	shalt  }
0x80: {  	_ =	shalt  }
0x81: {  	_ =	shalt  }
0x82: {  	_ =	shalt  }
0x83: {  	_ =	shalt  }
0x84: {  	_ =	shalt  }
0x85: {  	_ =	shalt  }
0x86: {  	_ =	shalt  }
0x87: {  	_ =	shalt  }
.Lfunc_end0:
.L_simem_size_0:
called_computation_lowered:
.L_overlay_start_0:
0x88: {  	s2 =	sld [smem:$0x3FD9]  }
0x89: {  	s3 =	sld [smem:$0x3FFE];
	_ =	sdelay $0x1  }
0x8a: {  	s1 =	srdreg.scid  }
0x8b: {  	s0 =	sand.u32 $0x1, s1  }
0x8c: {  	s17 =	sshll.u32 s0, $0xA;
	s2 =	sadd.s32 s3, s2  }
0x8d: {  	s2 =	sadd.s32 s2, s17  }
0x8e: {  	[smem:$0x3FC6] =	sst s2  }
0x8f: {  	_ = 	snop  }
0x90: {  	s2 =	sld [smem:$0x3FC8]  }
0x91: {  	s18 =	sld [smem:$0x3FD0];
	(tm) =	ssettm $0x1  }
0x92: {  	s4 =	sld [smem:$0x3FFB];
	_ =	sdelay $0x3  }
0x93: {  	_ =	strace s4  }
0x94: {  	s4 =	sld [smem:$0x3FFC];
	_ =	sdelay $0x3  }
0x95: {  	_ =	strace s4  }
0x96: {  	s4 =	sld [smem:$0x3FFD];
	_ =	sdelay $0x3  }
0x97: {  	_ =	strace s4  }
0x98: {  	_ =	strace $0x8FFFFFFF  }
0x99: {  	s19 =	sld [smem:$0x3FDB];
	_ =	sdelay $0x1  }
0x9a: {  	s5 =	simm.s32 $_scs_section_size  }
0x9b: {  	s6 =	simm.s32 $_size__tile_overlayer_lowered;
	s7 =	simm.s32 $_tile_overlayer_lowered  }
0x9c: {  	s22 =	simm.s32 $0x1BFF;
	s21 =	sshll.u32 s7, $0x1;
	s4 =	sadd.s32 s5, s19  }
0x9d: {  	s8 =	simm.s32 $0x0;
	s20 =	sshll.u32 s6, $0x1;
	s6 =	sadd.s32 s21, s4  }
0x9e: {  	[timem:s8], [sflag:s22] =	dma.local [hbm:s6], s20  }
0x9f: {  	_ =	swait.ge [sflag:s22], s20  }
0xa0: {  	s5 =	ssub.s32 $0x0, s20;
	[sflag:s22] =	ssyncset.done $0x0  }
0xa1: {  	[sflag:s22] =	ssyncadd.s32 s5;
	_ =	sdelay $0x1  }
0xa2: {  	s23 =	simm.s32 $0x1B8B  }
0xa3: {  	_ =	swait.ge [sflag:s23], $0x1  }
0xa4: {  	[sflag:s23] =	ssyncset.done $0x0  }
0xa5: {  	s25 =	simm.s32 $0x1B8E;
	s24 =	sld [smem:$0x3FFE];
	[sflag:s23] =	ssyncadd.s32 $0xFFFFFFFF  }
0xa6: {  	s26 =	simm.s32 $execute0_lowered;
	[smem:$0x3FD2] =	sst s25  }
0xa7: {  	s6 =	sshll.u32 s26, $0x1;
	_ =	strace $0x80000046;
	[dreg:$0x1] =	wrdreg $0xFFFFFFFF  }
0xa8: {  	s28 =	simm.s32 $_size_execute0_lowered;
	s4 =	sadd.s32 s4, s6;
	[dreg:$0x0] =	wrdreg $0x0  }
0xa9: {  	s6 =	sshll.u32 s28, $0x1;
	[dreg:$0x2] =	wrdreg s4  }
0xaa: {  	[dreg:$0x3] =	wrdreg s6  }
0xab: {  	[dreg:$0x4] =	wrdreg $0xC0  }
0xac: {  	_ =	task [dreg:s8], $0x5FFFF  }
0xad: {  	[dreg:$0x1] =	wrdreg $0xFFFFFFFF  }
0xae: {  	[dreg:$0x0] =	wrdreg $0x60  }
0xaf: {  	[dreg:$0x2] =	wrdreg s2  }
0xb0: {  	[dreg:$0x3] =	wrdreg s24  }
0xb1: {  	[dreg:$0x4] =	wrdreg s18  }
0xb2: {  	[dreg:$0x5] =	wrdreg $0x9  }
0xb3: {  	_ =	task.clear_ibuf [dreg:s8], $0x6FFFF;
	_ =	strace $0x90000046  }
0xb4: {  	s29 =	simm.s32 $0x9;
	_ =	strace $0x80000048  }
0xb5: {  	_ =	swait.ge [sflag:s29], $0x1  }
0xb6: {  	[sflag:s29] =	ssyncadd.s32 $0xFFFFFFFF  }
0xb7: {  	_ =	strace $0x90000048  }
0xb8: {  	_ =	sfence  }
0xb9: {  	s30 =	sld [smem:$0x0];
	_ =	sdelay $0x2  }
0xba: {  	s31 =	sshll.u32 s1, $0xD;
	s1 =	sshrl.u32 s1, $0x2  }
0xbb: {  	s3 =	sand.u32 $0x4000, s31;
	s1 =	sadd.s32 s1, s30  }
0xbc: {  	s0 =	sor.u32 s3, s0;
	s1 =	sshll.u32 s1, $0x11  }
0xbd: {  	s0 =	sor.u32 s1, s0  }
0xbe: {  	s0 =	sadd.s32 $0x8F2B, s0  }
0xbf: {  	[sflag:s0] =	ssyncadd.remote.s32 $0x1  }
0xc0: {  	_ =	sfence.sel $0xFFFF  }
0xc1: {  	[dreg:$0x0] =	wrdreg $0xFFFFFFFF;
	(pc) =	sbr.abs _section_cstart, $3  }
0xc2: {  	[dreg:$0x1] =	wrdreg $0xFFFFFFFF  }
0xc3: {  	_ =	task.clear_ibuf [dreg:s8], $0x2FFFF;
	_ =	strace $0x9FFFFFFF  }
0xc4: {  	(tm) =	ssettm $0x7FFFFFFF  }
0xc5: {  	_ =	shalt  }
tec
execute0_lowered:
.L_overlay_start_1:
0x0: {  	(tag) =	ssettag $0x1  }
0x1: {  	s1 =	rddreg [dreg:$0x0]  }
0x2: {  	s0 =	rddreg [dreg:$0x1]  }
0x3: {  	s2 =	srdreg.scid;
	s10 =	stileid.u32  }
0x4: {  	s4 =	rddreg [dreg:$0x2];
	s30 =	simm.s32 $0x7400;
	s13 =	simm.s32 $0x8C00  }
0x5: {  	s28 =	simm.s32 $0x12400;
	s31 =	simm.s32 $0x12C00;
	s11 =	simm.s32 $0x16C00  }
0x6: {  	s2 =	sand.u32 $0x1, s2;
	s3 =	sshll.u32 s10, $0x1;
	s20 =	smul.u32 $0x64000, s10  }
0x7: {  	s5 =	sor.u32 s2, s3;
	s7 =	ssub.s32 $0x2, s2;
	s2 =	smul.u32 $0x32000, s2  }
0x8: {  	s12 =	simm.s32 $0x18400;
	s3 =	simm.s32 $0x0;
	s6 =	smul.u32 $0xC80, s5  }
0x9: {  	s29 =	simm.s32 $0x2;
	[smem:$0x7FF] =	sst s3;
	s9 =	smul.u32 $0x190000, s5  }
0xa: {  	s8 =	sshrl.u32 s7, $0x1;
	_ =	strace $0x80000047;
	s0 =	sadd.s32 s6, s0  }
0xb: {  	s8 =	ssub.s32 s7, s8;
	s14 =	sshrl.u32 s9, $0x3;
	s0 =	sadd.s32 $0x400, s0  }
0xc: {  	s25 =	smax.u32 s8, $0x1;
	[dreg:$0x5] =	wrdreg s0;
	s0 =	sadd.s32 s4, s14  }
0xd: {  	s5 =	sadd.s32 $0x100, s1;
	[dreg:$0x10] =	wrdreg s25;
	s15 =	sadd.s32 $0x2F800, s0  }
0xe: {  	s7 =	sadd.s32 $0x300, s1;
	s16 =	sadd.s32 $0x2FC00, s0;
	[dreg:$0x6] =	wrdreg s15  }
0xf: {  	s6 =	sadd.s32 $0x200, s1;
	s17 =	sadd.s32 $0x30000, s0;
	[dreg:$0x7] =	wrdreg s16  }
0x10: {  	s8 =	simm.s32 $0x8400;
	s18 =	sadd.s32 $0x30400, s0;
	[dreg:$0x8] =	wrdreg s17  }
0x11: {  	s9 =	simm.s32 $0x16400;
	s19 =	sadd.s32 $0x30800, s0;
	[dreg:$0x9] =	wrdreg s18  }
0x12: {  	s25 =	simm.s32 $0x10400;
	s21 =	sadd.s32 $0x30C00, s0;
	[dreg:$0xa] =	wrdreg s19  }
0x13: {  	s4 =	sadd.s32 s20, s4;
	s22 =	sadd.s32 $0x31000, s0;
	[dreg:$0xb] =	wrdreg s21  }
0x14: {  	s14 =	simm.s32 $0x7C00;
	s23 =	sadd.s32 $0x31400, s0;
	[dreg:$0xc] =	wrdreg s22  }
0x15: {  	s20 =	simm.s32 $0x18C00;
	s24 =	sadd.s32 $0x31800, s0;
	[dreg:$0xd] =	wrdreg s23  }
0x16: {  	s0 =	sadd.s32 $0x31C00, s0;
	s26 =	sadd.s32 s2, s4;
	[dreg:$0xe] =	wrdreg s24  }
0x17: {  	s2 =	simm.s32 $0x14400;
	s4 =	simm.s32 $0x14C00;
	[dreg:$0xf] =	wrdreg s0  }
0x18: {  	[dreg:$0x4] =	wrdreg s26;
	s18 =	simm.s32 $0x6400;
	s23 =	simm.s32 $0x6C00  }
0x19: {  	v0 =	vlaneseq.u32;
	s15 =	simm.s32 $0xA400;
	s16 =	simm.s32 $0xAC00;
	s17 =	simm.s32 $0xC400  }
0x1a: {  	v1 =	vshrl.u32 v0, $0x3;
	s19 =	simm.s32 $0xCC00;
	s21 =	simm.s32 $0xE400;
	s22 =	simm.s32 $0xEC00  }
0x1b: {  	vm0 =	vmmov $0xffff;
	v0 =	vand.u32 $0x7, v0;
	v1 =	vmul.u32 $0x8, v1;
	s26 =	simm.s32 $0x10C00;
	s0 =	simm.s32 $0x0;
	s24 =	simm.s32 $0x1  }
.LBB2_1:
0x1c: {  	[dreg:$0x11] =	wrdreg s0  }
0x1d: {  	s10 =	rddreg [dreg:$0x5];
	s0 =	simm.s32 $0x15  }
0x1e: {  	[tilespmem:s3], [sflag:$0x15] =	stream.linear.gather [hbm4b:s10+s3], $0x6400, $0x38;
	[tilespmem:$0x1A400] =	vst v63  }
0x1f: {  	_ =	swait.ge [sflag:s0], $0x6400  }
0x20: {  	[sflag:s0] =	ssyncset.done $0x0  }
0x21: {  	[sflag:s0] =	ssyncadd.s32 $0xFFFF9C00  }
0x22: {  	v2 =	vld.msk [tilespmem:$0x0], $0xff;
	_ =	sdelay $0x4  }
0x23: {  	v3 =	vshll.u32 v2, $0x3  }
0x24: {  	v2 =	vand.u32 $0x7, v2;
	v3 =	vand.u32 $0xFFFFFFC0, v3  }
0x25: {  	v2 =	vor.u32 v2, v3  }
0x26: {  	v2 =	vperm.xlane v2, v0;
	_ =	sdelay $0x1  }
0x27: {  	v2 =	vadd.s32 v1, v2;
	_ =	sdelay $0x4  }
0x28: {  	[tilespmem:s18], [sflag:$0x1] =	stream.indirect_vreg.gather [hbm4b:s1+s3], $0x80, v2, vm0, $0xb8;
	[tilespmem:$0x1A400] =	vst v63  }
0x29: {  	_ = 	snop  }
0x2a: {  	[tilespmem:s23], [sflag:$0x1] =	stream.indirect_vreg.gather [hbm4b:s5+s3], $0x80, v2, vm0, $0xb8;
	[tilespmem:$0x1A400] =	vst v63  }
0x2b: {  	_ = 	snop  }
0x2c: {  	[tilespmem:s30], [sflag:$0x1] =	stream.indirect_vreg.gather [hbm4b:s6+s3], $0x80, v2, vm0, $0xb8;
	[tilespmem:$0x1A400] =	vst v63  }
0x2d: {  	_ = 	snop  }
0x2e: {  	[tilespmem:s14], [sflag:$0x1] =	stream.indirect_vreg.gather [hbm4b:s7+s3], $0x80, v2, vm0, $0xb8;
	[tilespmem:$0x1A400] =	vst v63  }
0x2f: {  	v2 =	vld.msk [tilespmem:$0x80], $0xff;
	_ =	sdelay $0x4  }
0x30: {  	v3 =	vshll.u32 v2, $0x3  }
0x31: {  	v2 =	vand.u32 $0x7, v2;
	v3 =	vand.u32 $0xFFFFFFC0, v3  }
0x32: {  	v2 =	vor.u32 v2, v3  }
0x33: {  	v2 =	vperm.xlane v2, v0;
	_ =	sdelay $0x1  }
0x34: {  	v2 =	vadd.s32 v1, v2;
	_ =	sdelay $0x4  }
0x35: {  	[tilespmem:s8], [sflag:$0x2] =	stream.indirect_vreg.gather [hbm4b:s1+s3], $0x80, v2, vm0, $0xb8;
	[tilespmem:$0x1A400] =	vst v63  }
0x36: {  	_ = 	snop  }
0x37: {  	[tilespmem:s13], [sflag:$0x2] =	stream.indirect_vreg.gather [hbm4b:s5+s3], $0x80, v2, vm0, $0xb8;
	[tilespmem:$0x1A400] =	vst v63  }
0x38: {  	s30 =	simm.s32 $0x9400  }
0x39: {  	[tilespmem:s30], [sflag:$0x2] =	stream.indirect_vreg.gather [hbm4b:s6+s3], $0x80, v2, vm0, $0xb8;
	[tilespmem:$0x1A400] =	vst v63  }
0x3a: {  	s8 =	simm.s32 $0x9C00  }
0x3b: {  	[tilespmem:s8], [sflag:$0x2] =	stream.indirect_vreg.gather [hbm4b:s7+s3], $0x80, v2, vm0, $0xb8;
	[tilespmem:$0x1A400] =	vst v63  }
0x3c: {  	v2 =	vld.msk [tilespmem:$0x100], $0xff;
	_ =	sdelay $0x4  }
0x3d: {  	v3 =	vshll.u32 v2, $0x3  }
0x3e: {  	v2 =	vand.u32 $0x7, v2;
	v3 =	vand.u32 $0xFFFFFFC0, v3  }
0x3f: {  	v2 =	vor.u32 v2, v3  }
0x40: {  	v2 =	vperm.xlane v2, v0;
	_ =	sdelay $0x1  }
0x41: {  	v2 =	vadd.s32 v1, v2;
	_ =	sdelay $0x4  }
0x42: {  	[tilespmem:s15], [sflag:$0x3] =	stream.indirect_vreg.gather [hbm4b:s1+s3], $0x80, v2, vm0, $0xb8;
	[tilespmem:$0x1A400] =	vst v63  }
0x43: {  	_ = 	snop  }
0x44: {  	[tilespmem:s16], [sflag:$0x3] =	stream.indirect_vreg.gather [hbm4b:s5+s3], $0x80, v2, vm0, $0xb8;
	[tilespmem:$0x1A400] =	vst v63  }
0x45: {  	s10 =	simm.s32 $0xB400  }
0x46: {  	[tilespmem:s10], [sflag:$0x3] =	stream.indirect_vreg.gather [hbm4b:s6+s3], $0x80, v2, vm0, $0xb8;
	[tilespmem:$0x1A400] =	vst v63  }
0x47: {  	s13 =	simm.s32 $0xBC00  }
0x48: {  	[tilespmem:s13], [sflag:$0x3] =	stream.indirect_vreg.gather [hbm4b:s7+s3], $0x80, v2, vm0, $0xb8;
	[tilespmem:$0x1A400] =	vst v63  }
0x49: {  	v2 =	vld.msk [tilespmem:$0x180], $0xff;
	_ =	sdelay $0x4  }
0x4a: {  	v3 =	vshll.u32 v2, $0x3  }
0x4b: {  	v2 =	vand.u32 $0x7, v2;
	v3 =	vand.u32 $0xFFFFFFC0, v3  }
0x4c: {  	v2 =	vor.u32 v2, v3  }
0x4d: {  	v2 =	vperm.xlane v2, v0;
	_ =	sdelay $0x1  }
0x4e: {  	v2 =	vadd.s32 v1, v2;
	_ =	sdelay $0x4  }
0x4f: {  	[tilespmem:s17], [sflag:$0x4] =	stream.indirect_vreg.gather [hbm4b:s1+s3], $0x80, v2, vm0, $0xb8;
	[tilespmem:$0x1A400] =	vst v63  }
0x50: {  	_ = 	snop  }
0x51: {  	[tilespmem:s19], [sflag:$0x4] =	stream.indirect_vreg.gather [hbm4b:s5+s3], $0x80, v2, vm0, $0xb8;
	[tilespmem:$0x1A400] =	vst v63  }
0x52: {  	s14 =	simm.s32 $0xD400  }
0x53: {  	[tilespmem:s14], [sflag:$0x4] =	stream.indirect_vreg.gather [hbm4b:s6+s3], $0x80, v2, vm0, $0xb8;
	[tilespmem:$0x1A400] =	vst v63  }
0x54: {  	s15 =	simm.s32 $0xDC00  }
0x55: {  	[tilespmem:s15], [sflag:$0x4] =	stream.indirect_vreg.gather [hbm4b:s7+s3], $0x80, v2, vm0, $0xb8;
	[tilespmem:$0x1A400] =	vst v63  }
0x56: {  	v2 =	vld.msk [tilespmem:$0x200], $0xff;
	_ =	sdelay $0x4  }
0x57: {  	v3 =	vshll.u32 v2, $0x3  }
0x58: {  	v2 =	vand.u32 $0x7, v2;
	v3 =	vand.u32 $0xFFFFFFC0, v3  }
0x59: {  	v2 =	vor.u32 v2, v3  }
0x5a: {  	v2 =	vperm.xlane v2, v0;
	_ =	sdelay $0x1  }
0x5b: {  	v2 =	vadd.s32 v1, v2;
	_ =	sdelay $0x4  }
0x5c: {  	[tilespmem:s21], [sflag:$0x5] =	stream.indirect_vreg.gather [hbm4b:s1+s3], $0x80, v2, vm0, $0xb8;
	[tilespmem:$0x1A400] =	vst v63  }
0x5d: {  	_ = 	snop  }
0x5e: {  	[tilespmem:s22], [sflag:$0x5] =	stream.indirect_vreg.gather [hbm4b:s5+s3], $0x80, v2, vm0, $0xb8;
	[tilespmem:$0x1A400] =	vst v63  }
0x5f: {  	s16 =	simm.s32 $0xF400  }
0x60: {  	[tilespmem:s16], [sflag:$0x5] =	stream.indirect_vreg.gather [hbm4b:s6+s3], $0x80, v2, vm0, $0xb8;
	[tilespmem:$0x1A400] =	vst v63  }
0x61: {  	s17 =	simm.s32 $0xFC00  }
0x62: {  	[tilespmem:s17], [sflag:$0x5] =	stream.indirect_vreg.gather [hbm4b:s7+s3], $0x80, v2, vm0, $0xb8;
	[tilespmem:$0x1A400] =	vst v63  }
0x63: {  	v2 =	vld.msk [tilespmem:$0x280], $0xff;
	_ =	sdelay $0x4  }
0x64: {  	v3 =	vshll.u32 v2, $0x3  }
0x65: {  	v2 =	vand.u32 $0x7, v2;
	v3 =	vand.u32 $0xFFFFFFC0, v3  }
0x66: {  	v2 =	vor.u32 v2, v3  }
0x67: {  	v2 =	vperm.xlane v2, v0;
	_ =	sdelay $0x1  }
0x68: {  	v2 =	vadd.s32 v1, v2;
	_ =	sdelay $0x4  }
0x69: {  	[tilespmem:s25], [sflag:$0x6] =	stream.indirect_vreg.gather [hbm4b:s1+s3], $0x80, v2, vm0, $0xb8;
	[tilespmem:$0x1A400] =	vst v63  }
0x6a: {  	_ = 	snop  }
0x6b: {  	[tilespmem:s26], [sflag:$0x6] =	stream.indirect_vreg.gather [hbm4b:s5+s3], $0x80, v2, vm0, $0xb8;
	[tilespmem:$0x1A400] =	vst v63  }
0x6c: {  	s18 =	simm.s32 $0x11400  }
0x6d: {  	[tilespmem:s18], [sflag:$0x6] =	stream.indirect_vreg.gather [hbm4b:s6+s3], $0x80, v2, vm0, $0xb8;
	[tilespmem:$0x1A400] =	vst v63  }
0x6e: {  	s19 =	simm.s32 $0x11C00  }
0x6f: {  	[tilespmem:s19], [sflag:$0x6] =	stream.indirect_vreg.gather [hbm4b:s7+s3], $0x80, v2, vm0, $0xb8;
	[tilespmem:$0x1A400] =	vst v63  }
0x70: {  	v2 =	vld.msk [tilespmem:$0x300], $0xff;
	_ =	sdelay $0x4  }
0x71: {  	v3 =	vshll.u32 v2, $0x3  }
0x72: {  	v2 =	vand.u32 $0x7, v2;
	v3 =	vand.u32 $0xFFFFFFC0, v3  }
0x73: {  	v2 =	vor.u32 v2, v3  }
0x74: {  	v2 =	vperm.xlane v2, v0;
	_ =	sdelay $0x1  }
0x75: {  	v2 =	vadd.s32 v1, v2;
	_ =	sdelay $0x4  }
0x76: {  	[tilespmem:s28], [sflag:$0x7] =	stream.indirect_vreg.gather [hbm4b:s1+s3], $0x80, v2, vm0, $0xb8;
	[tilespmem:$0x1A400] =	vst v63  }
0x77: {  	_ = 	snop  }
0x78: {  	[tilespmem:s31], [sflag:$0x7] =	stream.indirect_vreg.gather [hbm4b:s5+s3], $0x80, v2, vm0, $0xb8;
	[tilespmem:$0x1A400] =	vst v63  }
0x79: {  	s21 =	simm.s32 $0x13400  }
0x7a: {  	[tilespmem:s21], [sflag:$0x7] =	stream.indirect_vreg.gather [hbm4b:s6+s3], $0x80, v2, vm0, $0xb8;
	[tilespmem:$0x1A400] =	vst v63  }
0x7b: {  	s22 =	simm.s32 $0x13C00  }
0x7c: {  	[tilespmem:s22], [sflag:$0x7] =	stream.indirect_vreg.gather [hbm4b:s7+s3], $0x80, v2, vm0, $0xb8;
	[tilespmem:$0x1A400] =	vst v63  }
0x7d: {  	v2 =	vld.msk [tilespmem:$0x380], $0xff;
	_ =	sdelay $0x4  }
0x7e: {  	v3 =	vshll.u32 v2, $0x3  }
0x7f: {  	v2 =	vand.u32 $0x7, v2;
	v3 =	vand.u32 $0xFFFFFFC0, v3  }
0x80: {  	v2 =	vor.u32 v2, v3  }
0x81: {  	v2 =	vperm.xlane v2, v0;
	_ =	sdelay $0x1  }
0x82: {  	v2 =	vadd.s32 v1, v2;
	_ =	sdelay $0x4  }
0x83: {  	[tilespmem:s2], [sflag:$0x8] =	stream.indirect_vreg.gather [hbm4b:s1+s3], $0x80, v2, vm0, $0xb8;
	[tilespmem:$0x1A400] =	vst v63  }
0x84: {  	_ = 	snop  }
0x85: {  	[tilespmem:s4], [sflag:$0x8] =	stream.indirect_vreg.gather [hbm4b:s5+s3], $0x80, v2, vm0, $0xb8;
	[tilespmem:$0x1A400] =	vst v63  }
0x86: {  	s23 =	simm.s32 $0x15400  }
0x87: {  	[tilespmem:s23], [sflag:$0x8] =	stream.indirect_vreg.gather [hbm4b:s6+s3], $0x80, v2, vm0, $0xb8;
	[tilespmem:$0x1A400] =	vst v63  }
0x88: {  	s25 =	simm.s32 $0x15C00  }
0x89: {  	[tilespmem:s25], [sflag:$0x8] =	stream.indirect_vreg.gather [hbm4b:s7+s3], $0x80, v2, vm0, $0xb8;
	[tilespmem:$0x1A400] =	vst v63  }
0x8a: {  	v2 =	vld.msk [tilespmem:$0x400], $0xff;
	_ =	sdelay $0x4  }
0x8b: {  	v3 =	vshll.u32 v2, $0x3  }
0x8c: {  	v2 =	vand.u32 $0x7, v2;
	v3 =	vand.u32 $0xFFFFFFC0, v3  }
0x8d: {  	v2 =	vor.u32 v2, v3  }
0x8e: {  	v2 =	vperm.xlane v2, v0;
	_ =	sdelay $0x1  }
0x8f: {  	v2 =	vadd.s32 v1, v2;
	_ =	sdelay $0x4  }
0x90: {  	[tilespmem:s9], [sflag:$0x9] =	stream.indirect_vreg.gather [hbm4b:s1+s3], $0x80, v2, vm0, $0xb8;
	[tilespmem:$0x1A400] =	vst v63  }
0x91: {  	_ = 	snop  }
0x92: {  	[tilespmem:s11], [sflag:$0x9] =	stream.indirect_vreg.gather [hbm4b:s5+s3], $0x80, v2, vm0, $0xb8;
	[tilespmem:$0x1A400] =	vst v63  }
0x93: {  	s26 =	simm.s32 $0x17400  }
0x94: {  	[tilespmem:s26], [sflag:$0x9] =	stream.indirect_vreg.gather [hbm4b:s6+s3], $0x80, v2, vm0, $0xb8;
	[tilespmem:$0x1A400] =	vst v63  }
0x95: {  	s28 =	simm.s32 $0x17C00  }
0x96: {  	[tilespmem:s28], [sflag:$0x9] =	stream.indirect_vreg.gather [hbm4b:s7+s3], $0x80, v2, vm0, $0xb8;
	[tilespmem:$0x1A400] =	vst v63  }
0x97: {  	v2 =	vld.msk [tilespmem:$0x480], $0xff;
	_ =	sdelay $0x4  }
0x98: {  	v3 =	vshll.u32 v2, $0x3  }
0x99: {  	v2 =	vand.u32 $0x7, v2;
	v3 =	vand.u32 $0xFFFFFFC0, v3  }
0x9a: {  	v2 =	vor.u32 v2, v3  }
0x9b: {  	v2 =	vperm.xlane v2, v0;
	_ =	sdelay $0x1  }
0x9c: {  	v2 =	vadd.s32 v1, v2;
	_ =	sdelay $0x4  }
0x9d: {  	[tilespmem:s12], [sflag:$0xA] =	stream.indirect_vreg.gather [hbm4b:s1+s3], $0x80, v2, vm0, $0xb8;
	[tilespmem:$0x1A400] =	vst v63  }
0x9e: {  	_ = 	snop  }
0x9f: {  	[tilespmem:s20], [sflag:$0xA] =	stream.indirect_vreg.gather [hbm4b:s5+s3], $0x80, v2, vm0, $0xb8;
	[tilespmem:$0x1A400] =	vst v63  }
0xa0: {  	s30 =	simm.s32 $0x19400  }
0xa1: {  	[tilespmem:s30], [sflag:$0xA] =	stream.indirect_vreg.gather [hbm4b:s6+s3], $0x80, v2, vm0, $0xb8;
	[tilespmem:$0x1A400] =	vst v63  }
0xa2: {  	s10 =	simm.s32 $0x980;
	s14 =	simm.s32 $0x0;
	s31 =	simm.s32 $0x19C00  }
0xa3: {  	[tilespmem:s31], [sflag:$0xA] =	stream.indirect_vreg.gather [hbm4b:s7+s3], $0x80, v2, vm0, $0xb8;
	[tilespmem:$0x1A400] =	vst v63  }
.LBB2_2:
0xa4: {  	_ =	swait.ge [sflag:s24], $0x2000  }
0xa5: {  	s18 =	rddreg [dreg:$0x4];
	[sflag:s24] =	ssyncset.done $0x0  }
0xa6: {  	s30 =	simm.s32 $0x6400;
	[sflag:s24] =	ssyncadd.s32 $0xFFFFE000;
	s18 =	sadd.s32 s14, s18  }
0xa7: {  	[hbm4b:s18+s3] =	stream.linear.scatter [tilespmem:s30], [sflag:$0xB], $0x2000, $0x38;
	[tilespmem:$0x1A400] =	vst v63  }
0xa8: {  	_ =	swait.ge [sflag:s29], $0x2000  }
0xa9: {  	s13 =	simm.s32 $0x8400;
	[sflag:s29] =	ssyncset.done $0x0  }
0xaa: {  	s0 =	simm.s32 $0x3;
	s23 =	sadd.s32 $0x400, s18;
	[sflag:s29] =	ssyncadd.s32 $0xFFFFE000  }
0xab: {  	[hbm4b:s23+s3] =	stream.linear.scatter [tilespmem:s13], [sflag:$0xC], $0x2000, $0x38;
	[tilespmem:$0x1A400] =	vst v63  }
0xac: {  	_ =	swait.ge [sflag:s0], $0x2000  }
0xad: {  	s16 =	simm.s32 $0xA400;
	[sflag:s0] =	ssyncset.done $0x0  }
0xae: {  	s2 =	simm.s32 $0x4;
	s8 =	sadd.s32 $0x800, s18;
	[sflag:s0] =	ssyncadd.s32 $0xFFFFE000  }
0xaf: {  	[hbm4b:s8+s3] =	stream.linear.scatter [tilespmem:s16], [sflag:$0xD], $0x2000, $0x38;
	[tilespmem:$0x1A400] =	vst v63  }
0xb0: {  	_ =	swait.ge [sflag:s2], $0x2000  }
0xb1: {  	s19 =	simm.s32 $0xC400;
	[sflag:s2] =	ssyncset.done $0x0  }
0xb2: {  	s11 =	simm.s32 $0x5;
	s9 =	sadd.s32 $0xC00, s18;
	[sflag:s2] =	ssyncadd.s32 $0xFFFFE000  }
0xb3: {  	[hbm4b:s9+s3] =	stream.linear.scatter [tilespmem:s19], [sflag:$0xE], $0x2000, $0x38;
	[tilespmem:$0x1A400] =	vst v63  }
0xb4: {  	_ =	swait.ge [sflag:s11], $0x2000  }
0xb5: {  	s22 =	simm.s32 $0xE400;
	[sflag:s11] =	ssyncset.done $0x0  }
0xb6: {  	s15 =	simm.s32 $0x6;
	s12 =	sadd.s32 $0x1000, s18;
	[sflag:s11] =	ssyncadd.s32 $0xFFFFE000  }
0xb7: {  	[hbm4b:s12+s3] =	stream.linear.scatter [tilespmem:s22], [sflag:$0xF], $0x2000, $0x38;
	[tilespmem:$0x1A400] =	vst v63  }
0xb8: {  	_ =	swait.ge [sflag:s15], $0x2000  }
0xb9: {  	s26 =	simm.s32 $0x10400;
	[sflag:s15] =	ssyncset.done $0x0  }
0xba: {  	s20 =	simm.s32 $0x7;
	s17 =	sadd.s32 $0x1400, s18;
	[sflag:s15] =	ssyncadd.s32 $0xFFFFE000  }
0xbb: {  	[hbm4b:s17+s3] =	stream.linear.scatter [tilespmem:s26], [sflag:$0x10], $0x2000, $0x38;
	[tilespmem:$0x1A400] =	vst v63  }
0xbc: {  	_ =	swait.ge [sflag:s20], $0x2000  }
0xbd: {  	s31 =	simm.s32 $0x12400;
	[sflag:s20] =	ssyncset.done $0x0  }
0xbe: {  	s21 =	sadd.s32 $0x1800, s18;
	s23 =	simm.s32 $0x8;
	[sflag:s20] =	ssyncadd.s32 $0xFFFFE000  }
0xbf: {  	[hbm4b:s21+s3] =	stream.linear.scatter [tilespmem:s31], [sflag:$0x11], $0x2000, $0x38;
	[tilespmem:$0x1A400] =	vst v63  }
0xc0: {  	_ =	swait.ge [sflag:s23], $0x2000  }
0xc1: {  	s4 =	simm.s32 $0x14400;
	[sflag:s23] =	ssyncset.done $0x0  }
0xc2: {  	s25 =	sadd.s32 $0x1C00, s18;
	s0 =	simm.s32 $0x9;
	[sflag:s23] =	ssyncadd.s32 $0xFFFFE000  }
0xc3: {  	[hbm4b:s25+s3] =	stream.linear.scatter [tilespmem:s4], [sflag:$0x12], $0x2000, $0x38;
	[tilespmem:$0x1A400] =	vst v63  }
0xc4: {  	_ =	swait.ge [sflag:s0], $0x2000  }
0xc5: {  	s8 =	sadd.s32 $0x2000, s18;
	[sflag:s0] =	ssyncset.done $0x0  }
0xc6: {  	s9 =	simm.s32 $0xA;
	s11 =	simm.s32 $0x16400;
	[sflag:s0] =	ssyncadd.s32 $0xFFFFE000  }
0xc7: {  	[hbm4b:s8+s3] =	stream.linear.scatter [tilespmem:s11], [sflag:$0x13], $0x2000, $0x38;
	[tilespmem:$0x1A400] =	vst v63  }
0xc8: {  	_ =	swait.ge [sflag:s9], $0x2000  }
0xc9: {  	s18 =	sadd.s32 $0x2400, s18;
	[sflag:s9] =	ssyncset.done $0x0  }
0xca: {  	s12 =	simm.s32 $0xB;
	s20 =	simm.s32 $0x18400;
	[sflag:s9] =	ssyncadd.s32 $0xFFFFE000  }
0xcb: {  	[hbm4b:s18+s3] =	stream.linear.scatter [tilespmem:s20], [sflag:$0x14], $0x2000, $0x38;
	[tilespmem:$0x1A400] =	vst v63  }
0xcc: {  	_ =	swait.ge [sflag:s12], $0x2000  }
0xcd: {  	[sflag:s12] =	ssyncset.done $0x0  }
0xce: {  	[sflag:s12] =	ssyncadd.s32 $0xFFFFE000  }
0xcf: {  	v2 =	vld.msk [tilespmem:s10+$0xFFFFFB80], $0xff;
	_ =	sdelay $0x4  }
0xd0: {  	v3 =	vshll.u32 v2, $0x3  }
0xd1: {  	v2 =	vand.u32 $0x7, v2;
	v3 =	vand.u32 $0xFFFFFFC0, v3  }
0xd2: {  	v2 =	vor.u32 v2, v3  }
0xd3: {  	v2 =	vperm.xlane v2, v0;
	_ =	sdelay $0x1  }
0xd4: {  	v2 =	vadd.s32 v1, v2;
	_ =	sdelay $0x4  }
0xd5: {  	[tilespmem:s30], [sflag:$0x1] =	stream.indirect_vreg.gather [hbm4b:s1+s3], $0x80, v2, vm0, $0xb8;
	[tilespmem:$0x1A400] =	vst v63  }
0xd6: {  	s23 =	simm.s32 $0x6C00  }
0xd7: {  	[tilespmem:s23], [sflag:$0x1] =	stream.indirect_vreg.gather [hbm4b:s5+s3], $0x80, v2, vm0, $0xb8;
	[tilespmem:$0x1A400] =	vst v63  }
0xd8: {  	s30 =	simm.s32 $0x7400  }
0xd9: {  	[tilespmem:s30], [sflag:$0x1] =	stream.indirect_vreg.gather [hbm4b:s6+s3], $0x80, v2, vm0, $0xb8;
	[tilespmem:$0x1A400] =	vst v63  }
0xda: {  	s15 =	simm.s32 $0x7C00;
	s17 =	simm.s32 $0xC  }
0xdb: {  	[tilespmem:s15], [sflag:$0x1] =	stream.indirect_vreg.gather [hbm4b:s7+s3], $0x80, v2, vm0, $0xb8;
	[tilespmem:$0x1A400] =	vst v63  }
0xdc: {  	_ =	swait.ge [sflag:s17], $0x2000  }
0xdd: {  	[sflag:s17] =	ssyncset.done $0x0  }
0xde: {  	[sflag:s17] =	ssyncadd.s32 $0xFFFFE000  }
0xdf: {  	v2 =	vld.msk [tilespmem:s10+$0xFFFFFC00], $0xff;
	_ =	sdelay $0x4  }
0xe0: {  	v3 =	vshll.u32 v2, $0x3  }
0xe1: {  	v2 =	vand.u32 $0x7, v2;
	v3 =	vand.u32 $0xFFFFFFC0, v3  }
0xe2: {  	v2 =	vor.u32 v2, v3  }
0xe3: {  	v2 =	vperm.xlane v2, v0;
	_ =	sdelay $0x1  }
0xe4: {  	v2 =	vadd.s32 v1, v2;
	_ =	sdelay $0x4  }
0xe5: {  	[tilespmem:s13], [sflag:$0x2] =	stream.indirect_vreg.gather [hbm4b:s1+s3], $0x80, v2, vm0, $0xb8;
	[tilespmem:$0x1A400] =	vst v63  }
0xe6: {  	s13 =	simm.s32 $0x8C00  }
0xe7: {  	[tilespmem:s13], [sflag:$0x2] =	stream.indirect_vreg.gather [hbm4b:s5+s3], $0x80, v2, vm0, $0xb8;
	[tilespmem:$0x1A400] =	vst v63  }
0xe8: {  	s21 =	simm.s32 $0x9400  }
0xe9: {  	[tilespmem:s21], [sflag:$0x2] =	stream.indirect_vreg.gather [hbm4b:s6+s3], $0x80, v2, vm0, $0xb8;
	[tilespmem:$0x1A400] =	vst v63  }
0xea: {  	s25 =	simm.s32 $0x9C00;
	s0 =	simm.s32 $0xD  }
0xeb: {  	[tilespmem:s25], [sflag:$0x2] =	stream.indirect_vreg.gather [hbm4b:s7+s3], $0x80, v2, vm0, $0xb8;
	[tilespmem:$0x1A400] =	vst v63  }
0xec: {  	_ =	swait.ge [sflag:s0], $0x2000  }
0xed: {  	[sflag:s0] =	ssyncset.done $0x0  }
0xee: {  	[sflag:s0] =	ssyncadd.s32 $0xFFFFE000  }
0xef: {  	v2 =	vld.msk [tilespmem:s10+$0xFFFFFC80], $0xff;
	_ =	sdelay $0x4  }
0xf0: {  	v3 =	vshll.u32 v2, $0x3  }
0xf1: {  	v2 =	vand.u32 $0x7, v2;
	v3 =	vand.u32 $0xFFFFFFC0, v3  }
0xf2: {  	v2 =	vor.u32 v2, v3  }
0xf3: {  	v2 =	vperm.xlane v2, v0;
	_ =	sdelay $0x1  }
0xf4: {  	v2 =	vadd.s32 v1, v2;
	_ =	sdelay $0x4  }
0xf5: {  	[tilespmem:s16], [sflag:$0x3] =	stream.indirect_vreg.gather [hbm4b:s1+s3], $0x80, v2, vm0, $0xb8;
	[tilespmem:$0x1A400] =	vst v63  }
0xf6: {  	s16 =	simm.s32 $0xAC00  }
0xf7: {  	[tilespmem:s16], [sflag:$0x3] =	stream.indirect_vreg.gather [hbm4b:s5+s3], $0x80, v2, vm0, $0xb8;
	[tilespmem:$0x1A400] =	vst v63  }
0xf8: {  	s9 =	simm.s32 $0xB400  }
0xf9: {  	[tilespmem:s9], [sflag:$0x3] =	stream.indirect_vreg.gather [hbm4b:s6+s3], $0x80, v2, vm0, $0xb8;
	[tilespmem:$0x1A400] =	vst v63  }
0xfa: {  	s12 =	simm.s32 $0xBC00;
	s17 =	simm.s32 $0xE  }
0xfb: {  	[tilespmem:s12], [sflag:$0x3] =	stream.indirect_vreg.gather [hbm4b:s7+s3], $0x80, v2, vm0, $0xb8;
	[tilespmem:$0x1A400] =	vst v63  }
0xfc: {  	_ =	swait.ge [sflag:s17], $0x2000  }
0xfd: {  	[sflag:s17] =	ssyncset.done $0x0  }
0xfe: {  	[sflag:s17] =	ssyncadd.s32 $0xFFFFE000  }
0xff: {  	v2 =	vld.msk [tilespmem:s10+$0xFFFFFD00], $0xff;
	_ =	sdelay $0x4  }
0x100: {  	v3 =	vshll.u32 v2, $0x3  }
0x101: {  	v2 =	vand.u32 $0x7, v2;
	v3 =	vand.u32 $0xFFFFFFC0, v3  }
0x102: {  	v2 =	vor.u32 v2, v3  }
0x103: {  	v2 =	vperm.xlane v2, v0;
	_ =	sdelay $0x1  }
0x104: {  	v2 =	vadd.s32 v1, v2;
	_ =	sdelay $0x4  }
0x105: {  	[tilespmem:s19], [sflag:$0x4] =	stream.indirect_vreg.gather [hbm4b:s1+s3], $0x80, v2, vm0, $0xb8;
	[tilespmem:$0x1A400] =	vst v63  }
0x106: {  	s19 =	simm.s32 $0xCC00  }
0x107: {  	[tilespmem:s19], [sflag:$0x4] =	stream.indirect_vreg.gather [hbm4b:s5+s3], $0x80, v2, vm0, $0xb8;
	[tilespmem:$0x1A400] =	vst v63  }
0x108: {  	s21 =	simm.s32 $0xD400  }
0x109: {  	[tilespmem:s21], [sflag:$0x4] =	stream.indirect_vreg.gather [hbm4b:s6+s3], $0x80, v2, vm0, $0xb8;
	[tilespmem:$0x1A400] =	vst v63  }
0x10a: {  	s25 =	simm.s32 $0xDC00;
	s0 =	simm.s32 $0xF  }
0x10b: {  	[tilespmem:s25], [sflag:$0x4] =	stream.indirect_vreg.gather [hbm4b:s7+s3], $0x80, v2, vm0, $0xb8;
	[tilespmem:$0x1A400] =	vst v63  }
0x10c: {  	_ =	swait.ge [sflag:s0], $0x2000  }
0x10d: {  	[sflag:s0] =	ssyncset.done $0x0  }
0x10e: {  	[sflag:s0] =	ssyncadd.s32 $0xFFFFE000  }
0x10f: {  	v2 =	vld.msk [tilespmem:s10+$0xFFFFFD80], $0xff;
	_ =	sdelay $0x4  }
0x110: {  	v3 =	vshll.u32 v2, $0x3  }
0x111: {  	v2 =	vand.u32 $0x7, v2;
	v3 =	vand.u32 $0xFFFFFFC0, v3  }
0x112: {  	v2 =	vor.u32 v2, v3  }
0x113: {  	v2 =	vperm.xlane v2, v0;
	_ =	sdelay $0x1  }
0x114: {  	v2 =	vadd.s32 v1, v2;
	_ =	sdelay $0x4  }
0x115: {  	[tilespmem:s22], [sflag:$0x5] =	stream.indirect_vreg.gather [hbm4b:s1+s3], $0x80, v2, vm0, $0xb8;
	[tilespmem:$0x1A400] =	vst v63  }
0x116: {  	s22 =	simm.s32 $0xEC00  }
0x117: {  	[tilespmem:s22], [sflag:$0x5] =	stream.indirect_vreg.gather [hbm4b:s5+s3], $0x80, v2, vm0, $0xb8;
	[tilespmem:$0x1A400] =	vst v63  }
0x118: {  	s9 =	simm.s32 $0xF400  }
0x119: {  	[tilespmem:s9], [sflag:$0x5] =	stream.indirect_vreg.gather [hbm4b:s6+s3], $0x80, v2, vm0, $0xb8;
	[tilespmem:$0x1A400] =	vst v63  }
0x11a: {  	s12 =	simm.s32 $0xFC00;
	s25 =	simm.s32 $0x10  }
0x11b: {  	[tilespmem:s12], [sflag:$0x5] =	stream.indirect_vreg.gather [hbm4b:s7+s3], $0x80, v2, vm0, $0xb8;
	[tilespmem:$0x1A400] =	vst v63  }
0x11c: {  	_ =	swait.ge [sflag:s25], $0x2000  }
0x11d: {  	[sflag:s25] =	ssyncset.done $0x0  }
0x11e: {  	[sflag:s25] =	ssyncadd.s32 $0xFFFFE000  }
0x11f: {  	v2 =	vld.msk [tilespmem:s10+$0xFFFFFE00], $0xff;
	_ =	sdelay $0x4  }
0x120: {  	v3 =	vshll.u32 v2, $0x3  }
0x121: {  	v2 =	vand.u32 $0x7, v2;
	v3 =	vand.u32 $0xFFFFFFC0, v3  }
0x122: {  	v2 =	vor.u32 v2, v3  }
0x123: {  	v2 =	vperm.xlane v2, v0;
	_ =	sdelay $0x1  }
0x124: {  	v2 =	vadd.s32 v1, v2;
	_ =	sdelay $0x4  }
0x125: {  	[tilespmem:s26], [sflag:$0x6] =	stream.indirect_vreg.gather [hbm4b:s1+s3], $0x80, v2, vm0, $0xb8;
	[tilespmem:$0x1A400] =	vst v63  }
0x126: {  	s26 =	simm.s32 $0x10C00  }
0x127: {  	[tilespmem:s26], [sflag:$0x6] =	stream.indirect_vreg.gather [hbm4b:s5+s3], $0x80, v2, vm0, $0xb8;
	[tilespmem:$0x1A400] =	vst v63  }
0x128: {  	s0 =	simm.s32 $0x11400  }
0x129: {  	[tilespmem:s0], [sflag:$0x6] =	stream.indirect_vreg.gather [hbm4b:s6+s3], $0x80, v2, vm0, $0xb8;
	[tilespmem:$0x1A400] =	vst v63  }
0x12a: {  	s9 =	simm.s32 $0x11C00;
	s12 =	simm.s32 $0x11  }
0x12b: {  	[tilespmem:s9], [sflag:$0x6] =	stream.indirect_vreg.gather [hbm4b:s7+s3], $0x80, v2, vm0, $0xb8;
	[tilespmem:$0x1A400] =	vst v63  }
0x12c: {  	_ =	swait.ge [sflag:s12], $0x2000  }
0x12d: {  	[sflag:s12] =	ssyncset.done $0x0  }
0x12e: {  	[sflag:s12] =	ssyncadd.s32 $0xFFFFE000  }
0x12f: {  	v2 =	vld.msk [tilespmem:s10+$0xFFFFFE80], $0xff;
	_ =	sdelay $0x4  }
0x130: {  	v3 =	vshll.u32 v2, $0x3  }
0x131: {  	v2 =	vand.u32 $0x7, v2;
	v3 =	vand.u32 $0xFFFFFFC0, v3  }
0x132: {  	v2 =	vor.u32 v2, v3  }
0x133: {  	v2 =	vperm.xlane v2, v0;
	_ =	sdelay $0x1  }
0x134: {  	v2 =	vadd.s32 v1, v2;
	_ =	sdelay $0x4  }
0x135: {  	[tilespmem:s31], [sflag:$0x7] =	stream.indirect_vreg.gather [hbm4b:s1+s3], $0x80, v2, vm0, $0xb8;
	[tilespmem:$0x1A400] =	vst v63  }
0x136: {  	s31 =	simm.s32 $0x12C00  }
0x137: {  	[tilespmem:s31], [sflag:$0x7] =	stream.indirect_vreg.gather [hbm4b:s5+s3], $0x80, v2, vm0, $0xb8;
	[tilespmem:$0x1A400] =	vst v63  }
0x138: {  	s0 =	simm.s32 $0x13400  }
0x139: {  	[tilespmem:s0], [sflag:$0x7] =	stream.indirect_vreg.gather [hbm4b:s6+s3], $0x80, v2, vm0, $0xb8;
	[tilespmem:$0x1A400] =	vst v63  }
0x13a: {  	s9 =	simm.s32 $0x13C00;
	s12 =	simm.s32 $0x12  }
0x13b: {  	[tilespmem:s9], [sflag:$0x7] =	stream.indirect_vreg.gather [hbm4b:s7+s3], $0x80, v2, vm0, $0xb8;
	[tilespmem:$0x1A400] =	vst v63  }
0x13c: {  	_ =	swait.ge [sflag:s12], $0x2000  }
0x13d: {  	[sflag:s12] =	ssyncset.done $0x0  }
0x13e: {  	[sflag:s12] =	ssyncadd.s32 $0xFFFFE000  }
0x13f: {  	v2 =	vld.msk [tilespmem:s10+$0xFFFFFF00], $0xff;
	_ =	sdelay $0x4  }
0x140: {  	v3 =	vshll.u32 v2, $0x3  }
0x141: {  	v2 =	vand.u32 $0x7, v2;
	v3 =	vand.u32 $0xFFFFFFC0, v3  }
0x142: {  	v2 =	vor.u32 v2, v3  }
0x143: {  	v2 =	vperm.xlane v2, v0;
	_ =	sdelay $0x1  }
0x144: {  	v2 =	vadd.s32 v1, v2;
	_ =	sdelay $0x4  }
0x145: {  	[tilespmem:s4], [sflag:$0x8] =	stream.indirect_vreg.gather [hbm4b:s1+s3], $0x80, v2, vm0, $0xb8;
	[tilespmem:$0x1A400] =	vst v63  }
0x146: {  	s4 =	simm.s32 $0x14C00  }
0x147: {  	[tilespmem:s4], [sflag:$0x8] =	stream.indirect_vreg.gather [hbm4b:s5+s3], $0x80, v2, vm0, $0xb8;
	[tilespmem:$0x1A400] =	vst v63  }
0x148: {  	s9 =	simm.s32 $0x15400  }
0x149: {  	[tilespmem:s9], [sflag:$0x8] =	stream.indirect_vreg.gather [hbm4b:s6+s3], $0x80, v2, vm0, $0xb8;
	[tilespmem:$0x1A400] =	vst v63  }
0x14a: {  	s0 =	simm.s32 $0x15C00;
	s12 =	simm.s32 $0x13  }
0x14b: {  	[tilespmem:s0], [sflag:$0x8] =	stream.indirect_vreg.gather [hbm4b:s7+s3], $0x80, v2, vm0, $0xb8;
	[tilespmem:$0x1A400] =	vst v63  }
0x14c: {  	_ =	swait.ge [sflag:s12], $0x2000  }
0x14d: {  	[sflag:s12] =	ssyncset.done $0x0  }
0x14e: {  	[sflag:s12] =	ssyncadd.s32 $0xFFFFE000  }
0x14f: {  	v2 =	vld.msk [tilespmem:s10+$0xFFFFFF80], $0xff;
	_ =	sdelay $0x4  }
0x150: {  	v3 =	vshll.u32 v2, $0x3  }
0x151: {  	v2 =	vand.u32 $0x7, v2;
	v3 =	vand.u32 $0xFFFFFFC0, v3  }
0x152: {  	v2 =	vor.u32 v2, v3  }
0x153: {  	v2 =	vperm.xlane v2, v0;
	_ =	sdelay $0x1  }
0x154: {  	v2 =	vadd.s32 v1, v2;
	_ =	sdelay $0x4  }
0x155: {  	[tilespmem:s11], [sflag:$0x9] =	stream.indirect_vreg.gather [hbm4b:s1+s3], $0x80, v2, vm0, $0xb8;
	[tilespmem:$0x1A400] =	vst v63  }
0x156: {  	s11 =	simm.s32 $0x16C00  }
0x157: {  	[tilespmem:s11], [sflag:$0x9] =	stream.indirect_vreg.gather [hbm4b:s5+s3], $0x80, v2, vm0, $0xb8;
	[tilespmem:$0x1A400] =	vst v63  }
0x158: {  	s12 =	simm.s32 $0x17400  }
0x159: {  	[tilespmem:s12], [sflag:$0x9] =	stream.indirect_vreg.gather [hbm4b:s6+s3], $0x80, v2, vm0, $0xb8;
	[tilespmem:$0x1A400] =	vst v63  }
0x15a: {  	s0 =	simm.s32 $0x17C00  }
0x15b: {  	[tilespmem:s0], [sflag:$0x9] =	stream.indirect_vreg.gather [hbm4b:s7+s3], $0x80, v2, vm0, $0xb8;
	[tilespmem:$0x1A400] =	vst v63  }
0x15c: {  	s0 =	simm.s32 $0x14  }
0x15d: {  	_ =	swait.ge [sflag:s0], $0x2000  }
0x15e: {  	[sflag:s0] =	ssyncset.done $0x0  }
0x15f: {  	[sflag:s0] =	ssyncadd.s32 $0xFFFFE000  }
0x160: {  	v2 =	vld.msk [tilespmem:s10+$0x0], $0xff;
	_ =	sdelay $0x4  }
0x161: {  	v3 =	vshll.u32 v2, $0x3  }
0x162: {  	v2 =	vand.u32 $0x7, v2;
	v3 =	vand.u32 $0xFFFFFFC0, v3  }
0x163: {  	v2 =	vor.u32 v2, v3  }
0x164: {  	v2 =	vperm.xlane v2, v0;
	_ =	sdelay $0x1  }
0x165: {  	v2 =	vadd.s32 v1, v2;
	_ =	sdelay $0x2  }
0x166: {  	s28 =	simm.s32 $0x12400;
	p0 =	sne.s32 s14, $0x2D000  }
0x167: {  	s14 =	sadd.s32 $0x2800, s14;
	s2 =	simm.s32 $0x14400;
	s8 =	simm.s32 $0x8400  }
0x168: {  	[tilespmem:s20], [sflag:$0xA] =	stream.indirect_vreg.gather [hbm4b:s1+s3], $0x80, v2, vm0, $0xb8;
	[tilespmem:$0x1A400] =	vst v63  }
0x169: {  	s18 =	simm.s32 $0x6400;
	s15 =	simm.s32 $0xA400;
	s20 =	simm.s32 $0x18C00  }
0x16a: {  	[tilespmem:s20], [sflag:$0xA] =	stream.indirect_vreg.gather [hbm4b:s5+s3], $0x80, v2, vm0, $0xb8;
	[tilespmem:$0x1A400] =	vst v63  }
.Ltmp0:
0x16b: {  	s17 =	simm.s32 $0xC400;
	s21 =	simm.s32 $0xE400;
	(pc) =	sbr.rel @p0 .LBB2_2-.Ltmp0, $4  }
0x16c: {  	s25 =	simm.s32 $0x10400;
	s9 =	simm.s32 $0x16400;
	s0 =	simm.s32 $0x19400  }
0x16d: {  	[tilespmem:s0], [sflag:$0xA] =	stream.indirect_vreg.gather [hbm4b:s6+s3], $0x80, v2, vm0, $0xb8;
	[tilespmem:$0x1A400] =	vst v63  }
0x16e: {  	s12 =	simm.s32 $0x18400;
	s10 =	sadd.s32 $0x500, s10;
	s0 =	simm.s32 $0x19C00  }
0x16f: {  	[tilespmem:s0], [sflag:$0xA] =	stream.indirect_vreg.gather [hbm4b:s7+s3], $0x80, v2, vm0, $0xb8;
	[tilespmem:$0x1A400] =	vst v63  }
0x170: {  	_ =	swait.ge [sflag:s24], $0x2000  }
0x171: {  	[sflag:s24] =	ssyncset.done $0x0  }
0x172: {  	s10 =	rddreg [dreg:$0x6];
	[sflag:s24] =	ssyncadd.s32 $0xFFFFE000  }
0x173: {  	[hbm4b:s10+s3] =	stream.linear.scatter [tilespmem:s18], [sflag:$0xB], $0x2000, $0x38;
	[tilespmem:$0x1A400] =	vst v63  }
0x174: {  	_ =	swait.ge [sflag:s29], $0x2000  }
0x175: {  	[sflag:s29] =	ssyncset.done $0x0  }
0x176: {  	s0 =	simm.s32 $0x3;
	s14 =	rddreg [dreg:$0x7];
	[sflag:s29] =	ssyncadd.s32 $0xFFFFE000  }
0x177: {  	[hbm4b:s14+s3] =	stream.linear.scatter [tilespmem:s8], [sflag:$0xC], $0x2000, $0x38;
	[tilespmem:$0x1A400] =	vst v63  }
0x178: {  	_ =	swait.ge [sflag:s0], $0x2000  }
0x179: {  	[sflag:s0] =	ssyncset.done $0x0  }
0x17a: {  	s14 =	simm.s32 $0x4;
	[sflag:s0] =	ssyncadd.s32 $0xFFFFE000;
	s0 =	rddreg [dreg:$0x8]  }
0x17b: {  	[hbm4b:s0+s3] =	stream.linear.scatter [tilespmem:s15], [sflag:$0xD], $0x2000, $0x38;
	[tilespmem:$0x1A400] =	vst v63  }
0x17c: {  	_ =	swait.ge [sflag:s14], $0x2000  }
0x17d: {  	[sflag:s14] =	ssyncset.done $0x0  }
0x17e: {  	s0 =	rddreg [dreg:$0x9];
	[sflag:s14] =	ssyncadd.s32 $0xFFFFE000;
	s14 =	simm.s32 $0x5  }
0x17f: {  	[hbm4b:s0+s3] =	stream.linear.scatter [tilespmem:s17], [sflag:$0xE], $0x2000, $0x38;
	[tilespmem:$0x1A400] =	vst v63  }
0x180: {  	_ =	swait.ge [sflag:s14], $0x2000  }
0x181: {  	[sflag:s14] =	ssyncset.done $0x0  }
0x182: {  	s0 =	rddreg [dreg:$0xa];
	[sflag:s14] =	ssyncadd.s32 $0xFFFFE000;
	s14 =	simm.s32 $0x6  }
0x183: {  	[hbm4b:s0+s3] =	stream.linear.scatter [tilespmem:s21], [sflag:$0xF], $0x2000, $0x38;
	[tilespmem:$0x1A400] =	vst v63  }
0x184: {  	_ =	swait.ge [sflag:s14], $0x2000  }
0x185: {  	[sflag:s14] =	ssyncset.done $0x0  }
0x186: {  	s0 =	rddreg [dreg:$0xb];
	[sflag:s14] =	ssyncadd.s32 $0xFFFFE000;
	s14 =	simm.s32 $0x7  }
0x187: {  	[hbm4b:s0+s3] =	stream.linear.scatter [tilespmem:s25], [sflag:$0x10], $0x2000, $0x38;
	[tilespmem:$0x1A400] =	vst v63  }
0x188: {  	_ =	swait.ge [sflag:s14], $0x2000  }
0x189: {  	[sflag:s14] =	ssyncset.done $0x0  }
0x18a: {  	s0 =	rddreg [dreg:$0xc];
	[sflag:s14] =	ssyncadd.s32 $0xFFFFE000;
	s14 =	simm.s32 $0x8  }
0x18b: {  	[hbm4b:s0+s3] =	stream.linear.scatter [tilespmem:s28], [sflag:$0x11], $0x2000, $0x38;
	[tilespmem:$0x1A400] =	vst v63  }
0x18c: {  	_ =	swait.ge [sflag:s14], $0x2000  }
0x18d: {  	[sflag:s14] =	ssyncset.done $0x0  }
0x18e: {  	s0 =	rddreg [dreg:$0xd];
	[sflag:s14] =	ssyncadd.s32 $0xFFFFE000;
	s14 =	simm.s32 $0x9  }
0x18f: {  	[hbm4b:s0+s3] =	stream.linear.scatter [tilespmem:s2], [sflag:$0x12], $0x2000, $0x38;
	[tilespmem:$0x1A400] =	vst v63  }
0x190: {  	_ =	swait.ge [sflag:s14], $0x2000  }
0x191: {  	[sflag:s14] =	ssyncset.done $0x0  }
0x192: {  	s0 =	rddreg [dreg:$0xe];
	[sflag:s14] =	ssyncadd.s32 $0xFFFFE000;
	s14 =	simm.s32 $0xA  }
0x193: {  	[hbm4b:s0+s3] =	stream.linear.scatter [tilespmem:s9], [sflag:$0x13], $0x2000, $0x38;
	[tilespmem:$0x1A400] =	vst v63  }
0x194: {  	_ =	swait.ge [sflag:s14], $0x2000  }
0x195: {  	[sflag:s14] =	ssyncset.done $0x0  }
0x196: {  	s0 =	rddreg [dreg:$0xf];
	[sflag:s14] =	ssyncadd.s32 $0xFFFFE000;
	s14 =	simm.s32 $0xB  }
0x197: {  	[hbm4b:s0+s3] =	stream.linear.scatter [tilespmem:s12], [sflag:$0x14], $0x2000, $0x38;
	[tilespmem:$0x1A400] =	vst v63  }
0x198: {  	_ =	swait.ge [sflag:s14], $0x2000  }
0x199: {  	[sflag:s14] =	ssyncset.done $0x0  }
0x19a: {  	s10 =	simm.s32 $0xC;
	[sflag:s14] =	ssyncadd.s32 $0xFFFFE000  }
0x19b: {  	_ =	swait.ge [sflag:s10], $0x2000  }
0x19c: {  	[sflag:s10] =	ssyncset.done $0x0  }
0x19d: {  	s14 =	simm.s32 $0xD;
	[sflag:s10] =	ssyncadd.s32 $0xFFFFE000  }
0x19e: {  	_ =	swait.ge [sflag:s14], $0x2000  }
0x19f: {  	[sflag:s14] =	ssyncset.done $0x0  }
0x1a0: {  	s10 =	simm.s32 $0xE;
	[sflag:s14] =	ssyncadd.s32 $0xFFFFE000  }
0x1a1: {  	_ =	swait.ge [sflag:s10], $0x2000  }
0x1a2: {  	[sflag:s10] =	ssyncset.done $0x0  }
0x1a3: {  	s14 =	simm.s32 $0xF;
	[sflag:s10] =	ssyncadd.s32 $0xFFFFE000  }
0x1a4: {  	_ =	swait.ge [sflag:s14], $0x2000  }
0x1a5: {  	[sflag:s14] =	ssyncset.done $0x0  }
0x1a6: {  	s10 =	simm.s32 $0x10;
	[sflag:s14] =	ssyncadd.s32 $0xFFFFE000  }
0x1a7: {  	_ =	swait.ge [sflag:s10], $0x2000  }
0x1a8: {  	[sflag:s10] =	ssyncset.done $0x0  }
0x1a9: {  	s14 =	simm.s32 $0x11;
	[sflag:s10] =	ssyncadd.s32 $0xFFFFE000  }
0x1aa: {  	_ =	swait.ge [sflag:s14], $0x2000  }
0x1ab: {  	[sflag:s14] =	ssyncset.done $0x0  }
0x1ac: {  	s10 =	simm.s32 $0x12;
	[sflag:s14] =	ssyncadd.s32 $0xFFFFE000  }
0x1ad: {  	_ =	swait.ge [sflag:s10], $0x2000  }
0x1ae: {  	[sflag:s10] =	ssyncset.done $0x0  }
0x1af: {  	s14 =	simm.s32 $0x13;
	[sflag:s10] =	ssyncadd.s32 $0xFFFFE000  }
0x1b0: {  	_ =	swait.ge [sflag:s14], $0x2000  }
0x1b1: {  	[sflag:s14] =	ssyncset.done $0x0  }
0x1b2: {  	[sflag:s14] =	ssyncadd.s32 $0xFFFFE000;
	s14 =	simm.s32 $0x14  }
0x1b3: {  	_ =	swait.ge [sflag:s14], $0x2000  }
0x1b4: {  	s10 =	rddreg [dreg:$0x11]  }
0x1b5: {  	s0 =	sadd.s32 $0x1, s10;
	s10 =	rddreg [dreg:$0x10]  }
0x1b6: {  	p0 =	sne.s32 s0, s10  }
.Ltmp1:
0x1b7: {  	_ = 	snop;
	(pc) =	sbr.rel @p0 .LBB2_1-.Ltmp1, $3  }
0x1b8: {  	_ =	sdelay $0x1  }
0x1b9: {  	[sflag:s14] =	ssyncset.done $0x0  }
0x1ba: {  	[sflag:s14] =	ssyncadd.s32 $0xFFFFE000;
	s14 =	simm.s32 $0x7C00  }
0x1bb: {  	_ =	sfence.sel $0x180000  }
0x1bc: {  	[bflag:$0x0] =	sbarrier.arrive $0xFFFF  }
0x1bd: {  	_ =	strace $0x90000047  }
0x1be: {  	s0 =	stileid.u32;
	[bflag:$0x2] =	sbarrier.arrive $0xFFFF  }
0x1bf: {  	p0 =	sne.s32 s0, $0x0;
	s0 =	rddreg [dreg:$0x3]  }
0x1c0: {  	s0 =	sadd.s32 @!p0 $0x100000, s0  }
0x1c1: {  	[sflag:s0] =	ssyncadd.tile.s32 @!p0 $0x1;
	_ =	shalt  }
.Lfunc_end2:
_tile_overlayer_lowered:
.L_overlay_start_2:
0x1c2: {  	(tag) =	ssettag $0x2  }
0x1c3: {  	s0 =	rddreg [dreg:$0x0];
	s2 =	stileid.u32  }
0x1c4: {  	s1 =	rddreg [dreg:$0x1];
	p0 =	sne.s32 s2, $0x0  }
0x1c5: {  	s3 =	rddreg [dreg:$0x2];
	[bflag:$0x3] =	sbarrier.arrive $0xFFFF;
	s2 =	simm.s32 @!p0 $0x1C15  }
0x1c6: {  	[timem:s3], [sflag:s2] =	dma.local @!p0 [hbm:s0], s1  }
0x1c7: {  	s0 =	simm.s32 @!p0 $0x15  }
0x1c8: {  	_ =	swait.ge @!p0 [sflag:s0], s1  }
0x1c9: {  	s1 =	ssub.s32 @!p0 $0x0, s1;
	[sflag:s0] =	ssyncset.done @!p0 $0x0  }
0x1ca: {  	[sflag:s0] =	ssyncadd.s32 @!p0 s1  }
0x1cb: {  	[bflag:$0x3] =	sbarrier.arrive $0xFFFF  }
0x1cc: {  	_ =	shalt  }

</sc_bundles>
